<compile_context>
chip_gen: v7x
topology: tpu7x:2x2x1
jax: 0.10.2.dev20260603
libtpu: 0.0.44.dev20260713+nightly
codegen_flags: <defaults>
</compile_context>

<pallas_src>
import jax
import jax.numpy as jnp
from jax import lax
from jax.experimental import pallas as pl
from jax.experimental.pallas import tpu as pltpu
from jax.experimental.pallas import tpu_sc as plsc

C = 19
B = 4
H = 512
W = 512
K = 256
NC, NS, L = 2, 16, 16
NW = NC * NS
ROWS = H // NW
RPB = ROWS * W // L
PACK = 1 << 16
MAGIC = float(1 << 23)
SCALE = K * L - 8
UNROLL = 8


def _sc_hist_body(x_hbm, t_hbm, out_hbm, tbuf, xbuf0, xbuf1, hist,
                  rows, sem0, sem1, semt, semo):
    wid = lax.axis_index("s") * NC + lax.axis_index("c")
    prow = wid * ROWS
    for b in range(B):
        pltpu.async_copy(t_hbm.at[b, pl.ds(prow, ROWS), :], tbuf.at[b], semt)
    for b in range(B):
        pltpu.make_async_copy(t_hbm.at[0, pl.ds(0, ROWS), :], tbuf.at[b],
                              semt).wait()
    lanes = lax.iota(jnp.uint32, L)
    zero_v = jnp.zeros((L,), jnp.int32)

    @plsc.parallel_loop(0, K * L // L, unroll=8)
    def _(i):
        hist[pl.ds(i * L, L)] = zero_v

    def start_blk(c, b, buf, sem):
        pltpu.async_copy(x_hbm.at[b, c, pl.ds(prow, ROWS), :], buf, sem)

    def wait_blk(buf, sem):
        pltpu.make_async_copy(x_hbm.at[0, 0, pl.ds(0, ROWS), :], buf,
                              sem).wait()

    def compute_blk(c, b, buf):
        @plsc.parallel_loop(0, RPB, unroll=UNROLL)
        def _(v):
            r = lax.shift_right_logical(v, 5)
            off = (v & jnp.int32(31)) * L
            xv = buf[r, pl.ds(off, L)]
            tv = tbuf[b, r, pl.ds(off, L)]
            m = tv == c
            a = xv * jnp.float32(SCALE)
            yn = a + jnp.float32(MAGIC)
            yp = jnp.float32(MAGIC + SCALE) - a
            y = jnp.where(m, yp, yn)
            bits = plsc.bitcast(y, jnp.uint32)
            bkt = bits & jnp.uint32(0xFFF0)
            idx = plsc.bitcast(bkt | lanes, jnp.int32)
            val = jnp.where(m, jnp.int32(1 + PACK), jnp.int32(1))
            plsc.addupdate_scatter(hist, [idx], val)

    start_blk(0, 0, xbuf0, sem0)

    def class_body(c, carry):
        def pair_body(p, carry):
            b0 = 2 * p
            start_blk(c, b0 + 1, xbuf1, sem1)
            wait_blk(xbuf0, sem0)
            compute_blk(c, b0, xbuf0)

            @pl.when(p < B // 2 - 1)
            def _():
                start_blk(c, b0 + 2, xbuf0, sem0)
            wait_blk(xbuf1, sem1)
            compute_blk(c, b0 + 1, xbuf1)
            return carry
        lax.fori_loop(0, B // 2, pair_body, 0)

        @pl.when(c + 1 < C)
        def _():
            start_blk(c + 1, 0, xbuf0, sem0)

        @pl.when(c > 0)
        def _():
            pltpu.make_async_copy(rows, out_hbm.at[0, 0], semo).wait()

        lanes16 = plsc.bitcast(lanes, jnp.int32) * L

        @plsc.parallel_loop(0, K // L, unroll=2)
        def _(g):
            idxg = lanes16 + g * (L * L)
            acc = jnp.zeros((L,), jnp.int32)
            for ell in range(L):
                v = plsc.load_gather(hist, [idxg + ell])
                acc = acc + v
            for i in range(L):
                hist[pl.ds(g * (L * L) + i * L, L)] = zero_v
            rows[0, pl.ds(g * L, L)] = acc & jnp.int32(0xFFFF)
            rows[1, pl.ds(g * L, L)] = lax.shift_right_logical(acc, 16)

        pltpu.async_copy(rows, out_hbm.at[wid, c], semo)
        return carry
    lax.fori_loop(0, C, class_body, 0)
    pltpu.make_async_copy(rows, out_hbm.at[0, 0], semo).wait()


def _sc_histograms(x, t):
    mesh = plsc.VectorSubcoreMesh(core_axis_name="c", subcore_axis_name="s",
                                  num_cores=NC, num_subcores=NS)
    return pl.kernel(
        _sc_hist_body,
        out_type=jax.ShapeDtypeStruct((NW, C, 2, K), jnp.int32),
        mesh=mesh,
        compiler_params=pltpu.CompilerParams(needs_layout_passes=False),
        scratch_types=[
            pltpu.VMEM((B, ROWS, W), jnp.int32),
            pltpu.VMEM((ROWS, W), jnp.float32),
            pltpu.VMEM((ROWS, W), jnp.float32),
            pltpu.VMEM((K * L,), jnp.int32),
            pltpu.VMEM((2, K), jnp.int32),
            pltpu.SemaphoreType.DMA,
            pltpu.SemaphoreType.DMA,
            pltpu.SemaphoreType.DMA,
            pltpu.SemaphoreType.DMA,
        ],
    )(x, t)


def _cumsum_last(x):
    s = 1
    n = x.shape[-1]
    while s < n:
        shifted = jnp.concatenate(
            [jnp.zeros(x.shape[:-1] + (s,), x.dtype), x[..., :-s]], axis=-1)
        x = x + shifted
        s *= 2
    return x


def _tc_reduce_body(h_ref, o_ref):
    h = h_ref[...].astype(jnp.float32)
    s = jnp.sum(h, axis=0)
    cnt = s[:, :K]
    posc = s[:, K:]
    pref_n = _cumsum_last(cnt)
    pref_p = _cumsum_last(posc)
    totn = pref_n[:, K - 1:K]
    totp = pref_p[:, K - 1:K]
    en = totn - pref_n
    ep = totp - pref_p
    nq = cnt - posc
    eq = en - ep
    P = totp
    num = (P - ep) * nq + posc * (P + eq)
    den = (P + eq) * (P + eq + nq)
    dj_pos = num / jnp.maximum(den, jnp.float32(1.0))
    dj_zero = ((en + cnt) > 0).astype(jnp.float32) - (en > 0).astype(jnp.float32)
    dj = jnp.where(P > 0, dj_pos, dj_zero)
    vals = (lax.broadcasted_iota(jnp.int32, (C, K), 1).astype(jnp.float32)
            + jnp.float32(0.5)) * jnp.float32(L / SCALE)
    o_ref[...] = (jnp.sum(vals * dj) * jnp.float32(1.0 / C)).reshape(1, 1)


def _tc_reduce(hist):
    return pl.pallas_call(
        _tc_reduce_body,
        out_shape=jax.ShapeDtypeStruct((1, 1), jnp.float32),
        in_specs=[pl.BlockSpec(memory_space=pltpu.VMEM)],
        out_specs=pl.BlockSpec(memory_space=pltpu.VMEM),
    )(hist)


def kernel(inputs, targets):
    t = targets.astype(jnp.int32)
    hist = _sc_histograms(inputs, t)
    loss = _tc_reduce(hist.reshape(NW, C, 2 * K))
    return loss.reshape(())

# --- scband reference (transcript-rebuilt; emitter-appended) ---
"""Pipeline reference for scband-lovasz-softmax-71485435674703 (READ-ONLY COPY).

The authoritative reference and input builder live on the scoring server;
editing this copy changes nothing except your own understanding.
"""

import jax, jax.numpy as jnp
import numpy as np


def lovasz_grad(gt_sorted):
    gts = gt_sorted.sum()
    intersection = gts - jnp.cumsum(gt_sorted.astype(jnp.float32), 0)
    union = gts + jnp.cumsum((1.0 - gt_sorted).astype(jnp.float32), 0)
    jaccard = 1.0 - intersection / union
    jaccard = jaccard.at[1:].set(jaccard[1:] - jaccard[:-1])
    return jaccard


def setup_inputs(seed: int = 0) -> dict:
    key = jax.random.key(seed)
    k1, k2 = jax.random.split(key)
    inputs = jax.random.uniform(k1, (4, 19, 512, 512), dtype=jnp.float32)
    targets = jax.random.randint(k2, (4, 512, 512), 0, 19, dtype=jnp.int64)
    return {"inputs": inputs, "targets": targets}


def reference(inputs, targets):
    num_classes = inputs.shape[1]
    x = jnp.transpose(inputs, (0, 2, 3, 1)).reshape(-1, num_classes)
    t = targets.reshape(-1).astype(x.dtype)
    losses = []
    for c in range(num_classes):
        target_c = (t == c).astype(jnp.float32)
        input_c = x[:, c]
        loss_c = jnp.abs(target_c - input_c)
        order = jnp.argsort(-loss_c)
        loss_c_sorted = loss_c[order]
        target_c_sorted = target_c[order]
        grad = lovasz_grad(target_c_sorted)
        losses.append(jnp.dot(loss_c_sorted, grad))
    losses = jnp.stack(losses)
    return jnp.mean(losses)

if __name__ == "__main__":
    import jax
    _d = setup_inputs()
    print(jax.jit(kernel)(*tuple(_d.values())))

</pallas_src>

<mosaic_0001>
#map = affine_map<(d0, d1) -> (0, 0, 0, 0)>
#map1 = affine_map<(d0, d1) -> (0, 0, 0)>
module attributes {stable_mosaic.version = 14 : i64} {
  func.func @_sc_hist_body(%arg0: i32, %arg1: i32, %arg2: memref<4x19x512x512xf32, #tpu.memory_space<hbm>>, %arg3: memref<4x512x512xi32, #tpu.memory_space<hbm>>, %arg4: memref<32x19x2x256xi32, #tpu.memory_space<hbm>>, %arg5: memref<4x16x512xi32, #tpu.memory_space<vmem>>, %arg6: memref<16x512xf32, #tpu.memory_space<vmem>>, %arg7: memref<16x512xf32, #tpu.memory_space<vmem>>, %arg8: memref<4096xi32, #tpu.memory_space<vmem>>, %arg9: memref<2x256xi32, #tpu.memory_space<vmem>>, %arg10: memref<!tpu.dma_semaphore, #tpu.memory_space<semaphore_mem>>, %arg11: memref<!tpu.dma_semaphore, #tpu.memory_space<semaphore_mem>>, %arg12: memref<!tpu.dma_semaphore, #tpu.memory_space<semaphore_mem>>, %arg13: memref<!tpu.dma_semaphore, #tpu.memory_space<semaphore_mem>>) attributes {dimension_semantics = [#tpu.dimension_semantics<core_parallel>, #tpu.dimension_semantics<subcore_parallel>], iteration_bounds = array<i64: 2, 16>, scalar_prefetch = 0 : i64, scratch_operands = 9 : i64, tpu.core_type = #tpu.core_type<sc_vector_subcore>, window_params = [{transform_indices = #map}, {transform_indices = #map1}, {transform_indices = #map}]} {
    %mul3A = arith.constant 2 : i32
    %mul3A_0 = arith.muli %arg1, %mul3A : i32
    %add3A = arith.addi %mul3A_0, %arg0 : i32
    %mul3A_1 = arith.constant 16 : i32
    %mul3A_2 = arith.muli %add3A, %mul3A_1 : i32
    %dma_start3A = arith.constant 0 : i32
    %dma_start3A_3 = arith.constant 0 : i32
    %dma_start3A_4 = arith.constant 0 : i32
    %dma_start3A_5 = arith.constant 0 : i32
    %dma_start3A_6 = tpu.memref_slice %arg5[%dma_start3A_3, %dma_start3A_4, %dma_start3A_5] : memref<4x16x512xi32, #tpu.memory_space<vmem>> -> memref<1x16x512xi32, #tpu.memory_space<vmem>>
    %dma_start3A_7 = tpu.memref_squeeze %dma_start3A_6 : memref<1x16x512xi32, #tpu.memory_space<vmem>> -> memref<16x512xi32, #tpu.memory_space<vmem>>
    %dma_start3A_8 = arith.constant 0 : i32
    %dma_start3A_9 = tpu.memref_slice %arg3[%dma_start3A, %mul3A_2, %dma_start3A_8] : memref<4x512x512xi32, #tpu.memory_space<hbm>> -> memref<1x16x512xi32, #tpu.memory_space<hbm>>
    %dma_start3A_10 = tpu.memref_squeeze %dma_start3A_9 : memref<1x16x512xi32, #tpu.memory_space<hbm>> -> memref<16x512xi32, #tpu.memory_space<hbm>>
    %dma_start3A_11 = arith.constant 0 : i32
    %dma_start3A_12 = arith.constant 0 : i32
    %dma_start3A_13 = tpu.memref_slice %arg5[%dma_start3A_3, %dma_start3A_11, %dma_start3A_12] : memref<4x16x512xi32, #tpu.memory_space<vmem>> -> memref<1x16x512xi32, #tpu.memory_space<vmem>>
    %dma_start3A_14 = tpu.memref_squeeze %dma_start3A_13 : memref<1x16x512xi32, #tpu.memory_space<vmem>> -> memref<16x512xi32, #tpu.memory_space<vmem>>
    %dma_start3A_15 = arith.constant 0 : i32
    %dma_start3A_16 = tpu.memref_slice %arg3[%dma_start3A, %mul3A_2, %dma_start3A_15] : memref<4x512x512xi32, #tpu.memory_space<hbm>> -> memref<1x16x512xi32, #tpu.memory_space<hbm>>
    %dma_start3A_17 = tpu.memref_squeeze %dma_start3A_16 : memref<1x16x512xi32, #tpu.memory_space<hbm>> -> memref<16x512xi32, #tpu.memory_space<hbm>>
    tpu.enqueue_dma source(%dma_start3A_17 : memref<16x512xi32, #tpu.memory_space<hbm>>) target(%dma_start3A_14 : memref<16x512xi32, #tpu.memory_space<vmem>>) target_semaphore(%arg12 : memref<!tpu.dma_semaphore, #tpu.memory_space<semaphore_mem>>)
    %dma_start3A_18 = arith.constant 1 : i32
    %dma_start3A_19 = arith.constant 1 : i32
    %dma_start3A_20 = arith.constant 0 : i32
    %dma_start3A_21 = arith.constant 0 : i32
    %dma_start3A_22 = tpu.memref_slice %arg5[%dma_start3A_19, %dma_start3A_20, %dma_start3A_21] : memref<4x16x512xi32, #tpu.memory_space<vmem>> -> memref<1x16x512xi32, #tpu.memory_space<vmem>>
    %dma_start3A_23 = tpu.memref_squeeze %dma_start3A_22 : memref<1x16x512xi32, #tpu.memory_space<vmem>> -> memref<16x512xi32, #tpu.memory_space<vmem>>
    %dma_start3A_24 = arith.constant 0 : i32
    %dma_start3A_25 = tpu.memref_slice %arg3[%dma_start3A_18, %mul3A_2, %dma_start3A_24] : memref<4x512x512xi32, #tpu.memory_space<hbm>> -> memref<1x16x512xi32, #tpu.memory_space<hbm>>
    %dma_start3A_26 = tpu.memref_squeeze %dma_start3A_25 : memref<1x16x512xi32, #tpu.memory_space<hbm>> -> memref<16x512xi32, #tpu.memory_space<hbm>>
    %dma_start3A_27 = arith.constant 0 : i32
    %dma_start3A_28 = arith.constant 0 : i32
    %dma_start3A_29 = tpu.memref_slice %arg5[%dma_start3A_19, %dma_start3A_27, %dma_start3A_28] : memref<4x16x512xi32, #tpu.memory_space<vmem>> -> memref<1x16x512xi32, #tpu.memory_space<vmem>>
    %dma_start3A_30 = tpu.memref_squeeze %dma_start3A_29 : memref<1x16x512xi32, #tpu.memory_space<vmem>> -> memref<16x512xi32, #tpu.memory_space<vmem>>
    %dma_start3A_31 = arith.constant 0 : i32
    %dma_start3A_32 = tpu.memref_slice %arg3[%dma_start3A_18, %mul3A_2, %dma_start3A_31] : memref<4x512x512xi32, #tpu.memory_space<hbm>> -> memref<1x16x512xi32, #tpu.memory_space<hbm>>
    %dma_start3A_33 = tpu.memref_squeeze %dma_start3A_32 : memref<1x16x512xi32, #tpu.memory_space<hbm>> -> memref<16x512xi32, #tpu.memory_space<hbm>>
    tpu.enqueue_dma source(%dma_start3A_33 : memref<16x512xi32, #tpu.memory_space<hbm>>) target(%dma_start3A_30 : memref<16x512xi32, #tpu.memory_space<vmem>>) target_semaphore(%arg12 : memref<!tpu.dma_semaphore, #tpu.memory_space<semaphore_mem>>)
    %dma_start3A_34 = arith.constant 2 : i32
    %dma_start3A_35 = arith.constant 2 : i32
    %dma_start3A_36 = arith.constant 0 : i32
    %dma_start3A_37 = arith.constant 0 : i32
    %dma_start3A_38 = tpu.memref_slice %arg5[%dma_start3A_35, %dma_start3A_36, %dma_start3A_37] : memref<4x16x512xi32, #tpu.memory_space<vmem>> -> memref<1x16x512xi32, #tpu.memory_space<vmem>>
    %dma_start3A_39 = tpu.memref_squeeze %dma_start3A_38 : memref<1x16x512xi32, #tpu.memory_space<vmem>> -> memref<16x512xi32, #tpu.memory_space<vmem>>
    %dma_start3A_40 = arith.constant 0 : i32
    %dma_start3A_41 = tpu.memref_slice %arg3[%dma_start3A_34, %mul3A_2, %dma_start3A_40] : memref<4x512x512xi32, #tpu.memory_space<hbm>> -> memref<1x16x512xi32, #tpu.memory_space<hbm>>
    %dma_start3A_42 = tpu.memref_squeeze %dma_start3A_41 : memref<1x16x512xi32, #tpu.memory_space<hbm>> -> memref<16x512xi32, #tpu.memory_space<hbm>>
    %dma_start3A_43 = arith.constant 0 : i32
    %dma_start3A_44 = arith.constant 0 : i32
    %dma_start3A_45 = tpu.memref_slice %arg5[%dma_start3A_35, %dma_start3A_43, %dma_start3A_44] : memref<4x16x512xi32, #tpu.memory_space<vmem>> -> memref<1x16x512xi32, #tpu.memory_space<vmem>>
    %dma_start3A_46 = tpu.memref_squeeze %dma_start3A_45 : memref<1x16x512xi32, #tpu.memory_space<vmem>> -> memref<16x512xi32, #tpu.memory_space<vmem>>
    %dma_start3A_47 = arith.constant 0 : i32
    %dma_start3A_48 = tpu.memref_slice %arg3[%dma_start3A_34, %mul3A_2, %dma_start3A_47] : memref<4x512x512xi32, #tpu.memory_space<hbm>> -> memref<1x16x512xi32, #tpu.memory_space<hbm>>
    %dma_start3A_49 = tpu.memref_squeeze %dma_start3A_48 : memref<1x16x512xi32, #tpu.memory_space<hbm>> -> memref<16x512xi32, #tpu.memory_space<hbm>>
    tpu.enqueue_dma source(%dma_start3A_49 : memref<16x512xi32, #tpu.memory_space<hbm>>) target(%dma_start3A_46 : memref<16x512xi32, #tpu.memory_space<vmem>>) target_semaphore(%arg12 : memref<!tpu.dma_semaphore, #tpu.memory_space<semaphore_mem>>)
    %dma_start3A_50 = arith.constant 3 : i32
    %dma_start3A_51 = arith.constant 3 : i32
    %dma_start3A_52 = arith.constant 0 : i32
    %dma_start3A_53 = arith.constant 0 : i32
    %dma_start3A_54 = tpu.memref_slice %arg5[%dma_start3A_51, %dma_start3A_52, %dma_start3A_53] : memref<4x16x512xi32, #tpu.memory_space<vmem>> -> memref<1x16x512xi32, #tpu.memory_space<vmem>>
    %dma_start3A_55 = tpu.memref_squeeze %dma_start3A_54 : memref<1x16x512xi32, #tpu.memory_space<vmem>> -> memref<16x512xi32, #tpu.memory_space<vmem>>
    %dma_start3A_56 = arith.constant 0 : i32
    %dma_start3A_57 = tpu.memref_slice %arg3[%dma_start3A_50, %mul3A_2, %dma_start3A_56] : memref<4x512x512xi32, #tpu.memory_space<hbm>> -> memref<1x16x512xi32, #tpu.memory_space<hbm>>
    %dma_start3A_58 = tpu.memref_squeeze %dma_start3A_57 : memref<1x16x512xi32, #tpu.memory_space<hbm>> -> memref<16x512xi32, #tpu.memory_space<hbm>>
    %dma_start3A_59 = arith.constant 0 : i32
    %dma_start3A_60 = arith.constant 0 : i32
    %dma_start3A_61 = tpu.memref_slice %arg5[%dma_start3A_51, %dma_start3A_59, %dma_start3A_60] : memref<4x16x512xi32, #tpu.memory_space<vmem>> -> memref<1x16x512xi32, #tpu.memory_space<vmem>>
    %dma_start3A_62 = tpu.memref_squeeze %dma_start3A_61 : memref<1x16x512xi32, #tpu.memory_space<vmem>> -> memref<16x512xi32, #tpu.memory_space<vmem>>
    %dma_start3A_63 = arith.constant 0 : i32
    %dma_start3A_64 = tpu.memref_slice %arg3[%dma_start3A_50, %mul3A_2, %dma_start3A_63] : memref<4x512x512xi32, #tpu.memory_space<hbm>> -> memref<1x16x512xi32, #tpu.memory_space<hbm>>
    %dma_start3A_65 = tpu.memref_squeeze %dma_start3A_64 : memref<1x16x512xi32, #tpu.memory_space<hbm>> -> memref<16x512xi32, #tpu.memory_space<hbm>>
    tpu.enqueue_dma source(%dma_start3A_65 : memref<16x512xi32, #tpu.memory_space<hbm>>) target(%dma_start3A_62 : memref<16x512xi32, #tpu.memory_space<vmem>>) target_semaphore(%arg12 : memref<!tpu.dma_semaphore, #tpu.memory_space<semaphore_mem>>)
    %dma_wait3A = arith.constant 0 : i32
    %dma_wait3A_66 = arith.constant 0 : i32
    %dma_wait3A_67 = arith.constant 0 : i32
    %dma_wait3A_68 = arith.constant 0 : i32
    %dma_wait3A_69 = tpu.memref_slice %arg5[%dma_wait3A_66, %dma_wait3A_67, %dma_wait3A_68] : memref<4x16x512xi32, #tpu.memory_space<vmem>> -> memref<1x16x512xi32, #tpu.memory_space<vmem>>
    %dma_wait3A_70 = tpu.memref_squeeze %dma_wait3A_69 : memref<1x16x512xi32, #tpu.memory_space<vmem>> -> memref<16x512xi32, #tpu.memory_space<vmem>>
    %dma_wait3A_71 = arith.constant 0 : i32
    %dma_wait3A_72 = arith.constant 0 : i32
    %dma_wait3A_73 = tpu.memref_slice %arg3[%dma_wait3A, %dma_wait3A_71, %dma_wait3A_72] : memref<4x512x512xi32, #tpu.memory_space<hbm>> -> memref<1x16x512xi32, #tpu.memory_space<hbm>>
    %dma_wait3A_74 = tpu.memref_squeeze %dma_wait3A_73 : memref<1x16x512xi32, #tpu.memory_space<hbm>> -> memref<16x512xi32, #tpu.memory_space<hbm>>
    %dma_wait3A_75 = arith.constant 0 : i32
    %dma_wait3A_76 = arith.constant 0 : i32
    %dma_wait3A_77 = tpu.memref_slice %arg5[%dma_wait3A_66, %dma_wait3A_75, %dma_wait3A_76] : memref<4x16x512xi32, #tpu.memory_space<vmem>> -> memref<1x16x512xi32, #tpu.memory_space<vmem>>
    %dma_wait3A_78 = tpu.memref_squeeze %dma_wait3A_77 : memref<1x16x512xi32, #tpu.memory_space<vmem>> -> memref<16x512xi32, #tpu.memory_space<vmem>>
    %dma_wait3A_79 = arith.constant 0 : i32
    %dma_wait3A_80 = arith.constant 0 : i32
    %dma_wait3A_81 = tpu.memref_slice %arg3[%dma_wait3A, %dma_wait3A_79, %dma_wait3A_80] : memref<4x512x512xi32, #tpu.memory_space<hbm>> -> memref<1x16x512xi32, #tpu.memory_space<hbm>>
    %dma_wait3A_82 = tpu.memref_squeeze %dma_wait3A_81 : memref<1x16x512xi32, #tpu.memory_space<hbm>> -> memref<16x512xi32, #tpu.memory_space<hbm>>
    tpu.wait_dma2 semaphore(%arg12 : memref<!tpu.dma_semaphore, #tpu.memory_space<semaphore_mem>>) src(%dma_wait3A_82 : memref<16x512xi32, #tpu.memory_space<hbm>>) dst(%dma_wait3A_78 : memref<16x512xi32, #tpu.memory_space<vmem>>)
    %dma_wait3A_83 = arith.constant 0 : i32
    %dma_wait3A_84 = arith.constant 1 : i32
    %dma_wait3A_85 = arith.constant 0 : i32
    %dma_wait3A_86 = arith.constant 0 : i32
    %dma_wait3A_87 = tpu.memref_slice %arg5[%dma_wait3A_84, %dma_wait3A_85, %dma_wait3A_86] : memref<4x16x512xi32, #tpu.memory_space<vmem>> -> memref<1x16x512xi32, #tpu.memory_space<vmem>>
    %dma_wait3A_88 = tpu.memref_squeeze %dma_wait3A_87 : memref<1x16x512xi32, #tpu.memory_space<vmem>> -> memref<16x512xi32, #tpu.memory_space<vmem>>
    %dma_wait3A_89 = arith.constant 0 : i32
    %dma_wait3A_90 = arith.constant 0 : i32
    %dma_wait3A_91 = tpu.memref_slice %arg3[%dma_wait3A_83, %dma_wait3A_89, %dma_wait3A_90] : memref<4x512x512xi32, #tpu.memory_space<hbm>> -> memref<1x16x512xi32, #tpu.memory_space<hbm>>
    %dma_wait3A_92 = tpu.memref_squeeze %dma_wait3A_91 : memref<1x16x512xi32, #tpu.memory_space<hbm>> -> memref<16x512xi32, #tpu.memory_space<hbm>>
    %dma_wait3A_93 = arith.constant 0 : i32
    %dma_wait3A_94 = arith.constant 0 : i32
    %dma_wait3A_95 = tpu.memref_slice %arg5[%dma_wait3A_84, %dma_wait3A_93, %dma_wait3A_94] : memref<4x16x512xi32, #tpu.memory_space<vmem>> -> memref<1x16x512xi32, #tpu.memory_space<vmem>>
    %dma_wait3A_96 = tpu.memref_squeeze %dma_wait3A_95 : memref<1x16x512xi32, #tpu.memory_space<vmem>> -> memref<16x512xi32, #tpu.memory_space<vmem>>
    %dma_wait3A_97 = arith.constant 0 : i32
    %dma_wait3A_98 = arith.constant 0 : i32
    %dma_wait3A_99 = tpu.memref_slice %arg3[%dma_wait3A_83, %dma_wait3A_97, %dma_wait3A_98] : memref<4x512x512xi32, #tpu.memory_space<hbm>> -> memref<1x16x512xi32, #tpu.memory_space<hbm>>
    %dma_wait3A_100 = tpu.memref_squeeze %dma_wait3A_99 : memref<1x16x512xi32, #tpu.memory_space<hbm>> -> memref<16x512xi32, #tpu.memory_space<hbm>>
    tpu.wait_dma2 semaphore(%arg12 : memref<!tpu.dma_semaphore, #tpu.memory_space<semaphore_mem>>) src(%dma_wait3A_100 : memref<16x512xi32, #tpu.memory_space<hbm>>) dst(%dma_wait3A_96 : memref<16x512xi32, #tpu.memory_space<vmem>>)
    %dma_wait3A_101 = arith.constant 0 : i32
    %dma_wait3A_102 = arith.constant 2 : i32
    %dma_wait3A_103 = arith.constant 0 : i32
    %dma_wait3A_104 = arith.constant 0 : i32
    %dma_wait3A_105 = tpu.memref_slice %arg5[%dma_wait3A_102, %dma_wait3A_103, %dma_wait3A_104] : memref<4x16x512xi32, #tpu.memory_space<vmem>> -> memref<1x16x512xi32, #tpu.memory_space<vmem>>
    %dma_wait3A_106 = tpu.memref_squeeze %dma_wait3A_105 : memref<1x16x512xi32, #tpu.memory_space<vmem>> -> memref<16x512xi32, #tpu.memory_space<vmem>>
    %dma_wait3A_107 = arith.constant 0 : i32
    %dma_wait3A_108 = arith.constant 0 : i32
    %dma_wait3A_109 = tpu.memref_slice %arg3[%dma_wait3A_101, %dma_wait3A_107, %dma_wait3A_108] : memref<4x512x512xi32, #tpu.memory_space<hbm>> -> memref<1x16x512xi32, #tpu.memory_space<hbm>>
    %dma_wait3A_110 = tpu.memref_squeeze %dma_wait3A_109 : memref<1x16x512xi32, #tpu.memory_space<hbm>> -> memref<16x512xi32, #tpu.memory_space<hbm>>
    %dma_wait3A_111 = arith.constant 0 : i32
    %dma_wait3A_112 = arith.constant 0 : i32
    %dma_wait3A_113 = tpu.memref_slice %arg5[%dma_wait3A_102, %dma_wait3A_111, %dma_wait3A_112] : memref<4x16x512xi32, #tpu.memory_space<vmem>> -> memref<1x16x512xi32, #tpu.memory_space<vmem>>
    %dma_wait3A_114 = tpu.memref_squeeze %dma_wait3A_113 : memref<1x16x512xi32, #tpu.memory_space<vmem>> -> memref<16x512xi32, #tpu.memory_space<vmem>>
    %dma_wait3A_115 = arith.constant 0 : i32
    %dma_wait3A_116 = arith.constant 0 : i32
    %dma_wait3A_117 = tpu.memref_slice %arg3[%dma_wait3A_101, %dma_wait3A_115, %dma_wait3A_116] : memref<4x512x512xi32, #tpu.memory_space<hbm>> -> memref<1x16x512xi32, #tpu.memory_space<hbm>>
    %dma_wait3A_118 = tpu.memref_squeeze %dma_wait3A_117 : memref<1x16x512xi32, #tpu.memory_space<hbm>> -> memref<16x512xi32, #tpu.memory_space<hbm>>
    tpu.wait_dma2 semaphore(%arg12 : memref<!tpu.dma_semaphore, #tpu.memory_space<semaphore_mem>>) src(%dma_wait3A_118 : memref<16x512xi32, #tpu.memory_space<hbm>>) dst(%dma_wait3A_114 : memref<16x512xi32, #tpu.memory_space<vmem>>)
    %dma_wait3A_119 = arith.constant 0 : i32
    %dma_wait3A_120 = arith.constant 3 : i32
    %dma_wait3A_121 = arith.constant 0 : i32
    %dma_wait3A_122 = arith.constant 0 : i32
    %dma_wait3A_123 = tpu.memref_slice %arg5[%dma_wait3A_120, %dma_wait3A_121, %dma_wait3A_122] : memref<4x16x512xi32, #tpu.memory_space<vmem>> -> memref<1x16x512xi32, #tpu.memory_space<vmem>>
    %dma_wait3A_124 = tpu.memref_squeeze %dma_wait3A_123 : memref<1x16x512xi32, #tpu.memory_space<vmem>> -> memref<16x512xi32, #tpu.memory_space<vmem>>
    %dma_wait3A_125 = arith.constant 0 : i32
    %dma_wait3A_126 = arith.constant 0 : i32
    %dma_wait3A_127 = tpu.memref_slice %arg3[%dma_wait3A_119, %dma_wait3A_125, %dma_wait3A_126] : memref<4x512x512xi32, #tpu.memory_space<hbm>> -> memref<1x16x512xi32, #tpu.memory_space<hbm>>
    %dma_wait3A_128 = tpu.memref_squeeze %dma_wait3A_127 : memref<1x16x512xi32, #tpu.memory_space<hbm>> -> memref<16x512xi32, #tpu.memory_space<hbm>>
    %dma_wait3A_129 = arith.constant 0 : i32
    %dma_wait3A_130 = arith.constant 0 : i32
    %dma_wait3A_131 = tpu.memref_slice %arg5[%dma_wait3A_120, %dma_wait3A_129, %dma_wait3A_130] : memref<4x16x512xi32, #tpu.memory_space<vmem>> -> memref<1x16x512xi32, #tpu.memory_space<vmem>>
    %dma_wait3A_132 = tpu.memref_squeeze %dma_wait3A_131 : memref<1x16x512xi32, #tpu.memory_space<vmem>> -> memref<16x512xi32, #tpu.memory_space<vmem>>
    %dma_wait3A_133 = arith.constant 0 : i32
    %dma_wait3A_134 = arith.constant 0 : i32
    %dma_wait3A_135 = tpu.memref_slice %arg3[%dma_wait3A_119, %dma_wait3A_133, %dma_wait3A_134] : memref<4x512x512xi32, #tpu.memory_space<hbm>> -> memref<1x16x512xi32, #tpu.memory_space<hbm>>
    %dma_wait3A_136 = tpu.memref_squeeze %dma_wait3A_135 : memref<1x16x512xi32, #tpu.memory_space<hbm>> -> memref<16x512xi32, #tpu.memory_space<hbm>>
    tpu.wait_dma2 semaphore(%arg12 : memref<!tpu.dma_semaphore, #tpu.memory_space<semaphore_mem>>) src(%dma_wait3A_136 : memref<16x512xi32, #tpu.memory_space<hbm>>) dst(%dma_wait3A_132 : memref<16x512xi32, #tpu.memory_space<vmem>>)
    %iota3A = tpu.iota {dimensions = array<i32: 0>} : vector<16xi32>
    %broadcast_in_dim3A = arith.constant 0 : i32
    %broadcast_in_dim3A_137 = vector.broadcast %broadcast_in_dim3A : i32 to vector<16xi32>
    %parallel_loop3A = arith.constant 0 : i32
    %parallel_loop3A_138 = arith.constant 256 : i32
    %parallel_loop3A_139 = arith.constant 1 : i32
    scf.for %parallel_loop3A_163 = %parallel_loop3A to %parallel_loop3A_138 step %parallel_loop3A_139  : i32 {
      %parallel_loop3A_164 = arith.constant 16 : i32
      %parallel_loop3A_165 = arith.muli %parallel_loop3A_163, %parallel_loop3A_164 : i32
      %parallel_loop3A_166 = arith.index_cast %parallel_loop3A_165 : i32 to index
      %parallel_loop3A_167 = tpu.vector_load %arg8[%parallel_loop3A_166] {strides = array<i32>} : memref<4096xi32, #tpu.memory_space<vmem>>, vector<16xi32>,
      tpu.vector_store %arg8[%parallel_loop3A_166], %broadcast_in_dim3A_137 {strides = array<i32>} : memref<4096xi32, #tpu.memory_space<vmem>>, vector<16xi32>,
    } {sc.loop_unroll_factor = 8 : i64, sc.parallel_access}
    %dma_start3A_140 = arith.constant 0 : i32
    %dma_start3A_141 = arith.constant 0 : i32
    %dma_start3A_142 = arith.constant 0 : i32
    %dma_start3A_143 = tpu.memref_slice %arg2[%dma_start3A_140, %dma_start3A_141, %mul3A_2, %dma_start3A_142] : memref<4x19x512x512xf32, #tpu.memory_space<hbm>> -> memref<1x1x16x512xf32, #tpu.memory_space<hbm>>
    %dma_start3A_144 = tpu.memref_squeeze %dma_start3A_143 : memref<1x1x16x512xf32, #tpu.memory_space<hbm>> -> memref<16x512xf32, #tpu.memory_space<hbm>>
    %dma_start3A_145 = arith.constant 0 : i32
    %dma_start3A_146 = tpu.memref_slice %arg2[%dma_start3A_140, %dma_start3A_141, %mul3A_2, %dma_start3A_145] : memref<4x19x512x512xf32, #tpu.memory_space<hbm>> -> memref<1x1x16x512xf32, #tpu.memory_space<hbm>>
    %dma_start3A_147 = tpu.memref_squeeze %dma_start3A_146 : memref<1x1x16x512xf32, #tpu.memory_space<hbm>> -> memref<16x512xf32, #tpu.memory_space<hbm>>
    tpu.enqueue_dma source(%dma_start3A_147 : memref<16x512xf32, #tpu.memory_space<hbm>>) target(%arg6 : memref<16x512xf32, #tpu.memory_space<vmem>>) target_semaphore(%arg10 : memref<!tpu.dma_semaphore, #tpu.memory_space<semaphore_mem>>)
    %scan3A = arith.constant 0 : i32
    %scan3A_148 = arith.constant 0 : i32
    %scan3A_149 = arith.constant 19 : i32
    %scan3A_150 = arith.addi %scan3A_148, %scan3A_149 : i32
    %scan3A_151 = arith.constant 1 : i32
    scf.for %scan3A_163 = %scan3A_148 to %scan3A_150 step %scan3A_151  : i32 {
      %scan3A_164 = arith.constant 0 : i32
      %scan3A_165 = arith.constant 0 : i32
      %scan3A_166 = arith.constant 2 : i32
      %scan3A_167 = arith.addi %scan3A_165, %scan3A_166 : i32
      %scan3A_168 = arith.constant 1 : i32
      scf.for %scan3A_192 = %scan3A_165 to %scan3A_167 step %scan3A_168  : i32 {
        %mul3A_193 = arith.constant 2 : i32
        %mul3A_194 = arith.muli %mul3A_193, %scan3A_192 : i32
        %add3A_195 = arith.constant 1 : i32
        %add3A_196 = arith.addi %mul3A_194, %add3A_195 : i32
        %dma_start3A_197 = arith.constant 0 : i32
        %dma_start3A_198 = tpu.memref_slice %arg2[%add3A_196, %scan3A_163, %mul3A_2, %dma_start3A_197] : memref<4x19x512x512xf32, #tpu.memory_space<hbm>> -> memref<1x1x16x512xf32, #tpu.memory_space<hbm>>
        %dma_start3A_199 = tpu.memref_squeeze %dma_start3A_198 : memref<1x1x16x512xf32, #tpu.memory_space<hbm>> -> memref<16x512xf32, #tpu.memory_space<hbm>>
        %dma_start3A_200 = arith.constant 0 : i32
        %dma_start3A_201 = tpu.memref_slice %arg2[%add3A_196, %scan3A_163, %mul3A_2, %dma_start3A_200] : memref<4x19x512x512xf32, #tpu.memory_space<hbm>> -> memref<1x1x16x512xf32, #tpu.memory_space<hbm>>
        %dma_start3A_202 = tpu.memref_squeeze %dma_start3A_201 : memref<1x1x16x512xf32, #tpu.memory_space<hbm>> -> memref<16x512xf32, #tpu.memory_space<hbm>>
        tpu.enqueue_dma source(%dma_start3A_202 : memref<16x512xf32, #tpu.memory_space<hbm>>) target(%arg7 : memref<16x512xf32, #tpu.memory_space<vmem>>) target_semaphore(%arg11 : memref<!tpu.dma_semaphore, #tpu.memory_space<semaphore_mem>>)
        %dma_wait3A_203 = arith.constant 0 : i32
        %dma_wait3A_204 = arith.constant 0 : i32
        %dma_wait3A_205 = arith.constant 0 : i32
        %dma_wait3A_206 = arith.constant 0 : i32
        %dma_wait3A_207 = tpu.memref_slice %arg2[%dma_wait3A_203, %dma_wait3A_204, %dma_wait3A_205, %dma_wait3A_206] : memref<4x19x512x512xf32, #tpu.memory_space<hbm>> -> memref<1x1x16x512xf32, #tpu.memory_space<hbm>>
        %dma_wait3A_208 = tpu.memref_squeeze %dma_wait3A_207 : memref<1x1x16x512xf32, #tpu.memory_space<hbm>> -> memref<16x512xf32, #tpu.memory_space<hbm>>
        %dma_wait3A_209 = arith.constant 0 : i32
        %dma_wait3A_210 = arith.constant 0 : i32
        %dma_wait3A_211 = tpu.memref_slice %arg2[%dma_wait3A_203, %dma_wait3A_204, %dma_wait3A_209, %dma_wait3A_210] : memref<4x19x512x512xf32, #tpu.memory_space<hbm>> -> memref<1x1x16x512xf32, #tpu.memory_space<hbm>>
        %dma_wait3A_212 = tpu.memref_squeeze %dma_wait3A_211 : memref<1x1x16x512xf32, #tpu.memory_space<hbm>> -> memref<16x512xf32, #tpu.memory_space<hbm>>
        tpu.wait_dma2 semaphore(%arg10 : memref<!tpu.dma_semaphore, #tpu.memory_space<semaphore_mem>>) src(%dma_wait3A_212 : memref<16x512xf32, #tpu.memory_space<hbm>>) dst(%arg6 : memref<16x512xf32, #tpu.memory_space<vmem>>)
        %parallel_loop3A_213 = arith.constant 0 : i32
        %parallel_loop3A_214 = arith.constant 512 : i32
        %parallel_loop3A_215 = arith.constant 1 : i32
        scf.for %parallel_loop3A_236 = %parallel_loop3A_213 to %parallel_loop3A_214 step %parallel_loop3A_215  : i32 {
          %parallel_loop3A_237 = arith.constant 5 : i32
          %parallel_loop3A_238 = arith.shrui %parallel_loop3A_236, %parallel_loop3A_237 : i32
          %parallel_loop3A_239 = arith.constant 31 : i32
          %parallel_loop3A_240 = arith.andi %parallel_loop3A_236, %parallel_loop3A_239 : i32
          %parallel_loop3A_241 = arith.constant 16 : i32
          %parallel_loop3A_242 = arith.muli %parallel_loop3A_240, %parallel_loop3A_241 : i32
          %parallel_loop3A_243 = arith.index_cast %parallel_loop3A_238 : i32 to index
          %parallel_loop3A_244 = arith.index_cast %parallel_loop3A_242 : i32 to index
          %parallel_loop3A_245 = tpu.vector_load %arg6[%parallel_loop3A_243, %parallel_loop3A_244] {strides = array<i32>} : memref<16x512xf32, #tpu.memory_space<vmem>>, vector<16xf32>,
          %parallel_loop3A_246 = arith.index_cast %mul3A_194 : i32 to index
          %parallel_loop3A_247 = arith.index_cast %parallel_loop3A_238 : i32 to index
          %parallel_loop3A_248 = arith.index_cast %parallel_loop3A_242 : i32 to index
          %parallel_loop3A_249 = tpu.vector_load %arg5[%parallel_loop3A_246, %parallel_loop3A_247, %parallel_loop3A_248] {strides = array<i32>} : memref<4x16x512xi32, #tpu.memory_space<vmem>>, vector<16xi32>,
          %parallel_loop3A_250 = vector.broadcast %scan3A_163 : i32 to vector<16xi32>
          %parallel_loop3A_251 = arith.cmpi eq, %parallel_loop3A_249, %parallel_loop3A_250 : vector<16xi32>
          %parallel_loop3A_252 = arith.constant 4.088000e+03 : f32
          %parallel_loop3A_253 = vector.broadcast %parallel_loop3A_252 : f32 to vector<16xf32>
          %parallel_loop3A_254 = arith.mulf %parallel_loop3A_245, %parallel_loop3A_253 : vector<16xf32>
          %parallel_loop3A_255 = arith.constant 0x4B000000 : f32
          %parallel_loop3A_256 = vector.broadcast %parallel_loop3A_255 : f32 to vector<16xf32>
          %parallel_loop3A_257 = arith.addf %parallel_loop3A_254, %parallel_loop3A_256 : vector<16xf32>
          %parallel_loop3A_258 = arith.constant 0x4B000FF8 : f32
          %parallel_loop3A_259 = vector.broadcast %parallel_loop3A_258 : f32 to vector<16xf32>
          %parallel_loop3A_260 = arith.subf %parallel_loop3A_259, %parallel_loop3A_254 : vector<16xf32>
          %parallel_loop3A_261 = arith.select %parallel_loop3A_251, %parallel_loop3A_260, %parallel_loop3A_257 : vector<16xi1>, vector<16xf32>
          %parallel_loop3A_262 = vector.bitcast %parallel_loop3A_261 : vector<16xf32> to vector<16xi32>
          %parallel_loop3A_263 = arith.constant 65520 : i32
          %parallel_loop3A_264 = vector.broadcast %parallel_loop3A_263 : i32 to vector<16xi32>
          %parallel_loop3A_265 = arith.andi %parallel_loop3A_262, %parallel_loop3A_264 : vector<16xi32>
          %parallel_loop3A_266 = arith.ori %parallel_loop3A_265, %iota3A : vector<16xi32>
          %parallel_loop3A_267 = vector.bitcast %parallel_loop3A_266 : vector<16xi32> to vector<16xi32>
          %parallel_loop3A_268 = arith.constant 65537 : i32
          %parallel_loop3A_269 = arith.constant 1 : i32
          %parallel_loop3A_270 = vector.broadcast %parallel_loop3A_268 : i32 to vector<16xi32>
          %parallel_loop3A_271 = vector.broadcast %parallel_loop3A_269 : i32 to vector<16xi32>
          %parallel_loop3A_272 = arith.select %parallel_loop3A_251, %parallel_loop3A_270, %parallel_loop3A_271 : vector<16xi1>, vector<16xi32>
          tpu.vector_store_idx %arg8[%parallel_loop3A_267], %parallel_loop3A_272 {add = true} : memref<4096xi32, #tpu.memory_space<vmem>>[vector<16xi32>], vector<16xi32>,
        } {sc.loop_unroll_factor = 8 : i64, sc.parallel_access}
        %lt3A_216 = arith.constant 1 : i32
        %lt3A_217 = arith.cmpi slt, %scan3A_192, %lt3A_216 : i32
        %convert_element_type3A_218 = arith.extui %lt3A_217 : i1 to i32
        %cond3A_219 = arith.constant 0 : i32
        %cond3A_220 = arith.cmpi ne, %convert_element_type3A_218, %cond3A_219 : i32
        scf.if %cond3A_220 {
          %add3A_236 = arith.constant 2 : i32
          %add3A_237 = arith.addi %mul3A_194, %add3A_236 : i32
          %dma_start3A_238 = arith.constant 0 : i32
          %dma_start3A_239 = tpu.memref_slice %arg2[%add3A_237, %scan3A_163, %mul3A_2, %dma_start3A_238] : memref<4x19x512x512xf32, #tpu.memory_space<hbm>> -> memref<1x1x16x512xf32, #tpu.memory_space<hbm>>
          %dma_start3A_240 = tpu.memref_squeeze %dma_start3A_239 : memref<1x1x16x512xf32, #tpu.memory_space<hbm>> -> memref<16x512xf32, #tpu.memory_space<hbm>>
          %dma_start3A_241 = arith.constant 0 : i32
          %dma_start3A_242 = tpu.memref_slice %arg2[%add3A_237, %scan3A_163, %mul3A_2, %dma_start3A_241] : memref<4x19x512x512xf32, #tpu.memory_space<hbm>> -> memref<1x1x16x512xf32, #tpu.memory_space<hbm>>
          %dma_start3A_243 = tpu.memref_squeeze %dma_start3A_242 : memref<1x1x16x512xf32, #tpu.memory_space<hbm>> -> memref<16x512xf32, #tpu.memory_space<hbm>>
          tpu.enqueue_dma source(%dma_start3A_243 : memref<16x512xf32, #tpu.memory_space<hbm>>) target(%arg6 : memref<16x512xf32, #tpu.memory_space<vmem>>) target_semaphore(%arg10 : memref<!tpu.dma_semaphore, #tpu.memory_space<semaphore_mem>>)
        } else {
        }
        %dma_wait3A_221 = arith.constant 0 : i32
        %dma_wait3A_222 = arith.constant 0 : i32
        %dma_wait3A_223 = arith.constant 0 : i32
        %dma_wait3A_224 = arith.constant 0 : i32
        %dma_wait3A_225 = tpu.memref_slice %arg2[%dma_wait3A_221, %dma_wait3A_222, %dma_wait3A_223, %dma_wait3A_224] : memref<4x19x512x512xf32, #tpu.memory_space<hbm>> -> memref<1x1x16x512xf32, #tpu.memory_space<hbm>>
        %dma_wait3A_226 = tpu.memref_squeeze %dma_wait3A_225 : memref<1x1x16x512xf32, #tpu.memory_space<hbm>> -> memref<16x512xf32, #tpu.memory_space<hbm>>
        %dma_wait3A_227 = arith.constant 0 : i32
        %dma_wait3A_228 = arith.constant 0 : i32
        %dma_wait3A_229 = tpu.memref_slice %arg2[%dma_wait3A_221, %dma_wait3A_222, %dma_wait3A_227, %dma_wait3A_228] : memref<4x19x512x512xf32, #tpu.memory_space<hbm>> -> memref<1x1x16x512xf32, #tpu.memory_space<hbm>>
        %dma_wait3A_230 = tpu.memref_squeeze %dma_wait3A_229 : memref<1x1x16x512xf32, #tpu.memory_space<hbm>> -> memref<16x512xf32, #tpu.memory_space<hbm>>
        tpu.wait_dma2 semaphore(%arg11 : memref<!tpu.dma_semaphore, #tpu.memory_space<semaphore_mem>>) src(%dma_wait3A_230 : memref<16x512xf32, #tpu.memory_space<hbm>>) dst(%arg7 : memref<16x512xf32, #tpu.memory_space<vmem>>)
        %add3A_231 = arith.constant 1 : i32
        %add3A_232 = arith.addi %mul3A_194, %add3A_231 : i32
        %parallel_loop3A_233 = arith.constant 0 : i32
        %parallel_loop3A_234 = arith.constant 512 : i32
        %parallel_loop3A_235 = arith.constant 1 : i32
        scf.for %parallel_loop3A_236 = %parallel_loop3A_233 to %parallel_loop3A_234 step %parallel_loop3A_235  : i32 {
          %parallel_loop3A_237 = arith.constant 5 : i32
          %parallel_loop3A_238 = arith.shrui %parallel_loop3A_236, %parallel_loop3A_237 : i32
          %parallel_loop3A_239 = arith.constant 31 : i32
          %parallel_loop3A_240 = arith.andi %parallel_loop3A_236, %parallel_loop3A_239 : i32
          %parallel_loop3A_241 = arith.constant 16 : i32
          %parallel_loop3A_242 = arith.muli %parallel_loop3A_240, %parallel_loop3A_241 : i32
          %parallel_loop3A_243 = arith.index_cast %parallel_loop3A_238 : i32 to index
          %parallel_loop3A_244 = arith.index_cast %parallel_loop3A_242 : i32 to index
          %parallel_loop3A_245 = tpu.vector_load %arg7[%parallel_loop3A_243, %parallel_loop3A_244] {strides = array<i32>} : memref<16x512xf32, #tpu.memory_space<vmem>>, vector<16xf32>,
          %parallel_loop3A_246 = arith.index_cast %add3A_232 : i32 to index
          %parallel_loop3A_247 = arith.index_cast %parallel_loop3A_238 : i32 to index
          %parallel_loop3A_248 = arith.index_cast %parallel_loop3A_242 : i32 to index
          %parallel_loop3A_249 = tpu.vector_load %arg5[%parallel_loop3A_246, %parallel_loop3A_247, %parallel_loop3A_248] {strides = array<i32>} : memref<4x16x512xi32, #tpu.memory_space<vmem>>, vector<16xi32>,
          %parallel_loop3A_250 = vector.broadcast %scan3A_163 : i32 to vector<16xi32>
          %parallel_loop3A_251 = arith.cmpi eq, %parallel_loop3A_249, %parallel_loop3A_250 : vector<16xi32>
          %parallel_loop3A_252 = arith.constant 4.088000e+03 : f32
          %parallel_loop3A_253 = vector.broadcast %parallel_loop3A_252 : f32 to vector<16xf32>
          %parallel_loop3A_254 = arith.mulf %parallel_loop3A_245, %parallel_loop3A_253 : vector<16xf32>
          %parallel_loop3A_255 = arith.constant 0x4B000000 : f32
          %parallel_loop3A_256 = vector.broadcast %parallel_loop3A_255 : f32 to vector<16xf32>
          %parallel_loop3A_257 = arith.addf %parallel_loop3A_254, %parallel_loop3A_256 : vector<16xf32>
          %parallel_loop3A_258 = arith.constant 0x4B000FF8 : f32
          %parallel_loop3A_259 = vector.broadcast %parallel_loop3A_258 : f32 to vector<16xf32>
          %parallel_loop3A_260 = arith.subf %parallel_loop3A_259, %parallel_loop3A_254 : vector<16xf32>
          %parallel_loop3A_261 = arith.select %parallel_loop3A_251, %parallel_loop3A_260, %parallel_loop3A_257 : vector<16xi1>, vector<16xf32>
          %parallel_loop3A_262 = vector.bitcast %parallel_loop3A_261 : vector<16xf32> to vector<16xi32>
          %parallel_loop3A_263 = arith.constant 65520 : i32
          %parallel_loop3A_264 = vector.broadcast %parallel_loop3A_263 : i32 to vector<16xi32>
          %parallel_loop3A_265 = arith.andi %parallel_loop3A_262, %parallel_loop3A_264 : vector<16xi32>
          %parallel_loop3A_266 = arith.ori %parallel_loop3A_265, %iota3A : vector<16xi32>
          %parallel_loop3A_267 = vector.bitcast %parallel_loop3A_266 : vector<16xi32> to vector<16xi32>
          %parallel_loop3A_268 = arith.constant 65537 : i32
          %parallel_loop3A_269 = arith.constant 1 : i32
          %parallel_loop3A_270 = vector.broadcast %parallel_loop3A_268 : i32 to vector<16xi32>
          %parallel_loop3A_271 = vector.broadcast %parallel_loop3A_269 : i32 to vector<16xi32>
          %parallel_loop3A_272 = arith.select %parallel_loop3A_251, %parallel_loop3A_270, %parallel_loop3A_271 : vector<16xi1>, vector<16xi32>
          tpu.vector_store_idx %arg8[%parallel_loop3A_267], %parallel_loop3A_272 {add = true} : memref<4096xi32, #tpu.memory_space<vmem>>[vector<16xi32>], vector<16xi32>,
        } {sc.loop_unroll_factor = 8 : i64, sc.parallel_access}
      }
      %scan3A_169 = arith.constant 2 : i32
      %add3A_170 = arith.constant 1 : i32
      %add3A_171 = arith.addi %scan3A_163, %add3A_170 : i32
      %lt3A = arith.constant 19 : i32
      %lt3A_172 = arith.cmpi slt, %add3A_171, %lt3A : i32
      %convert_element_type3A = arith.extui %lt3A_172 : i1 to i32
      %cond3A = arith.constant 0 : i32
      %cond3A_173 = arith.cmpi ne, %convert_element_type3A, %cond3A : i32
      scf.if %cond3A_173 {
        %add3A_192 = arith.constant 1 : i32
        %add3A_193 = arith.addi %scan3A_163, %add3A_192 : i32
        %dma_start3A_194 = arith.constant 0 : i32
        %dma_start3A_195 = arith.constant 0 : i32
        %dma_start3A_196 = tpu.memref_slice %arg2[%dma_start3A_194, %add3A_193, %mul3A_2, %dma_start3A_195] : memref<4x19x512x512xf32, #tpu.memory_space<hbm>> -> memref<1x1x16x512xf32, #tpu.memory_space<hbm>>
        %dma_start3A_197 = tpu.memref_squeeze %dma_start3A_196 : memref<1x1x16x512xf32, #tpu.memory_space<hbm>> -> memref<16x512xf32, #tpu.memory_space<hbm>>
        %dma_start3A_198 = arith.constant 0 : i32
        %dma_start3A_199 = tpu.memref_slice %arg2[%dma_start3A_194, %add3A_193, %mul3A_2, %dma_start3A_198] : memref<4x19x512x512xf32, #tpu.memory_space<hbm>> -> memref<1x1x16x512xf32, #tpu.memory_space<hbm>>
        %dma_start3A_200 = tpu.memref_squeeze %dma_start3A_199 : memref<1x1x16x512xf32, #tpu.memory_space<hbm>> -> memref<16x512xf32, #tpu.memory_space<hbm>>
        tpu.enqueue_dma source(%dma_start3A_200 : memref<16x512xf32, #tpu.memory_space<hbm>>) target(%arg6 : memref<16x512xf32, #tpu.memory_space<vmem>>) target_semaphore(%arg10 : memref<!tpu.dma_semaphore, #tpu.memory_space<semaphore_mem>>)
      } else {
      }
      %gt3A = arith.constant 0 : i32
      %gt3A_174 = arith.cmpi sgt, %scan3A_163, %gt3A : i32
      %convert_element_type3A_175 = arith.extui %gt3A_174 : i1 to i32
      %cond3A_176 = arith.constant 0 : i32
      %cond3A_177 = arith.cmpi ne, %convert_element_type3A_175, %cond3A_176 : i32
      scf.if %cond3A_177 {
        %dma_wait3A_192 = arith.constant 0 : i32
        %dma_wait3A_193 = arith.constant 0 : i32
        %dma_wait3A_194 = arith.constant 0 : i32
        %dma_wait3A_195 = arith.constant 0 : i32
        %dma_wait3A_196 = tpu.memref_slice %arg4[%dma_wait3A_192, %dma_wait3A_193, %dma_wait3A_194, %dma_wait3A_195] : memref<32x19x2x256xi32, #tpu.memory_space<hbm>> -> memref<1x1x2x256xi32, #tpu.memory_space<hbm>>
        %dma_wait3A_197 = tpu.memref_squeeze %dma_wait3A_196 : memref<1x1x2x256xi32, #tpu.memory_space<hbm>> -> memref<2x256xi32, #tpu.memory_space<hbm>>
        %dma_wait3A_198 = arith.constant 0 : i32
        %dma_wait3A_199 = arith.constant 0 : i32
        %dma_wait3A_200 = tpu.memref_slice %arg4[%dma_wait3A_192, %dma_wait3A_193, %dma_wait3A_198, %dma_wait3A_199] : memref<32x19x2x256xi32, #tpu.memory_space<hbm>> -> memref<1x1x2x256xi32, #tpu.memory_space<hbm>>
        %dma_wait3A_201 = tpu.memref_squeeze %dma_wait3A_200 : memref<1x1x2x256xi32, #tpu.memory_space<hbm>> -> memref<2x256xi32, #tpu.memory_space<hbm>>
        tpu.wait_dma2 semaphore(%arg13 : memref<!tpu.dma_semaphore, #tpu.memory_space<semaphore_mem>>) src(%arg9 : memref<2x256xi32, #tpu.memory_space<vmem>>) dst(%dma_wait3A_201 : memref<2x256xi32, #tpu.memory_space<hbm>>)
      } else {
      }
      %bitcast3A = vector.bitcast %iota3A : vector<16xi32> to vector<16xi32>
      %mul3A_178 = arith.constant 16 : i32
      %mul3A_179 = vector.broadcast %mul3A_178 : i32 to vector<16xi32>
      %mul3A_180 = arith.muli %bitcast3A, %mul3A_179 : vector<16xi32>
      %parallel_loop3A_181 = arith.constant 0 : i32
      %parallel_loop3A_182 = arith.constant 16 : i32
      %parallel_loop3A_183 = arith.constant 1 : i32
      scf.for %parallel_loop3A_192 = %parallel_loop3A_181 to %parallel_loop3A_182 step %parallel_loop3A_183  : i32 {
        %parallel_loop3A_193 = arith.constant 256 : i32
        %parallel_loop3A_194 = arith.muli %parallel_loop3A_192, %parallel_loop3A_193 : i32
        %parallel_loop3A_195 = vector.broadcast %parallel_loop3A_194 : i32 to vector<16xi32>
        %parallel_loop3A_196 = arith.addi %mul3A_180, %parallel_loop3A_195 : vector<16xi32>
        %parallel_loop3A_197 = arith.constant 0 : i32
        %parallel_loop3A_198 = vector.broadcast %parallel_loop3A_197 : i32 to vector<16xi32>
        %parallel_loop3A_199 = arith.constant 0 : i32
        %parallel_loop3A_200 = vector.broadcast %parallel_loop3A_199 : i32 to vector<16xi32>
        %parallel_loop3A_201 = arith.addi %parallel_loop3A_196, %parallel_loop3A_200 : vector<16xi32>
        %parallel_loop3A_202 = tpu.vector_load_idx %arg8[%parallel_loop3A_201] : memref<4096xi32, #tpu.memory_space<vmem>>[vector<16xi32>], vector<16xi32>,
        %parallel_loop3A_203 = arith.addi %parallel_loop3A_198, %parallel_loop3A_202 : vector<16xi32>
        %parallel_loop3A_204 = arith.constant 1 : i32
        %parallel_loop3A_205 = vector.broadcast %parallel_loop3A_204 : i32 to vector<16xi32>
        %parallel_loop3A_206 = arith.addi %parallel_loop3A_196, %parallel_loop3A_205 : vector<16xi32>
        %parallel_loop3A_207 = tpu.vector_load_idx %arg8[%parallel_loop3A_206] : memref<4096xi32, #tpu.memory_space<vmem>>[vector<16xi32>], vector<16xi32>,
        %parallel_loop3A_208 = arith.addi %parallel_loop3A_203, %parallel_loop3A_207 : vector<16xi32>
        %parallel_loop3A_209 = arith.constant 2 : i32
        %parallel_loop3A_210 = vector.broadcast %parallel_loop3A_209 : i32 to vector<16xi32>
        %parallel_loop3A_211 = arith.addi %parallel_loop3A_196, %parallel_loop3A_210 : vector<16xi32>
        %parallel_loop3A_212 = tpu.vector_load_idx %arg8[%parallel_loop3A_211] : memref<4096xi32, #tpu.memory_space<vmem>>[vector<16xi32>], vector<16xi32>,
        %parallel_loop3A_213 = arith.addi %parallel_loop3A_208, %parallel_loop3A_212 : vector<16xi32>
        %parallel_loop3A_214 = arith.constant 3 : i32
        %parallel_loop3A_215 = vector.broadcast %parallel_loop3A_214 : i32 to vector<16xi32>
        %parallel_loop3A_216 = arith.addi %parallel_loop3A_196, %parallel_loop3A_215 : vector<16xi32>
        %parallel_loop3A_217 = tpu.vector_load_idx %arg8[%parallel_loop3A_216] : memref<4096xi32, #tpu.memory_space<vmem>>[vector<16xi32>], vector<16xi32>,
        %parallel_loop3A_218 = arith.addi %parallel_loop3A_213, %parallel_loop3A_217 : vector<16xi32>
        %parallel_loop3A_219 = arith.constant 4 : i32
        %parallel_loop3A_220 = vector.broadcast %parallel_loop3A_219 : i32 to vector<16xi32>
        %parallel_loop3A_221 = arith.addi %parallel_loop3A_196, %parallel_loop3A_220 : vector<16xi32>
        %parallel_loop3A_222 = tpu.vector_load_idx %arg8[%parallel_loop3A_221] : memref<4096xi32, #tpu.memory_space<vmem>>[vector<16xi32>], vector<16xi32>,
        %parallel_loop3A_223 = arith.addi %parallel_loop3A_218, %parallel_loop3A_222 : vector<16xi32>
        %parallel_loop3A_224 = arith.constant 5 : i32
        %parallel_loop3A_225 = vector.broadcast %parallel_loop3A_224 : i32 to vector<16xi32>
        %parallel_loop3A_226 = arith.addi %parallel_loop3A_196, %parallel_loop3A_225 : vector<16xi32>
        %parallel_loop3A_227 = tpu.vector_load_idx %arg8[%parallel_loop3A_226] : memref<4096xi32, #tpu.memory_space<vmem>>[vector<16xi32>], vector<16xi32>,
        %parallel_loop3A_228 = arith.addi %parallel_loop3A_223, %parallel_loop3A_227 : vector<16xi32>
        %parallel_loop3A_229 = arith.constant 6 : i32
        %parallel_loop3A_230 = vector.broadcast %parallel_loop3A_229 : i32 to vector<16xi32>
        %parallel_loop3A_231 = arith.addi %parallel_loop3A_196, %parallel_loop3A_230 : vector<16xi32>
        %parallel_loop3A_232 = tpu.vector_load_idx %arg8[%parallel_loop3A_231] : memref<4096xi32, #tpu.memory_space<vmem>>[vector<16xi32>], vector<16xi32>,
        %parallel_loop3A_233 = arith.addi %parallel_loop3A_228, %parallel_loop3A_232 : vector<16xi32>
        %parallel_loop3A_234 = arith.constant 7 : i32
        %parallel_loop3A_235 = vector.broadcast %parallel_loop3A_234 : i32 to vector<16xi32>
        %parallel_loop3A_236 = arith.addi %parallel_loop3A_196, %parallel_loop3A_235 : vector<16xi32>
        %parallel_loop3A_237 = tpu.vector_load_idx %arg8[%parallel_loop3A_236] : memref<4096xi32, #tpu.memory_space<vmem>>[vector<16xi32>], vector<16xi32>,
        %parallel_loop3A_238 = arith.addi %parallel_loop3A_233, %parallel_loop3A_237 : vector<16xi32>
        %parallel_loop3A_239 = arith.constant 8 : i32
        %parallel_loop3A_240 = vector.broadcast %parallel_loop3A_239 : i32 to vector<16xi32>
        %parallel_loop3A_241 = arith.addi %parallel_loop3A_196, %parallel_loop3A_240 : vector<16xi32>
        %parallel_loop3A_242 = tpu.vector_load_idx %arg8[%parallel_loop3A_241] : memref<4096xi32, #tpu.memory_space<vmem>>[vector<16xi32>], vector<16xi32>,
        %parallel_loop3A_243 = arith.addi %parallel_loop3A_238, %parallel_loop3A_242 : vector<16xi32>
        %parallel_loop3A_244 = arith.constant 9 : i32
        %parallel_loop3A_245 = vector.broadcast %parallel_loop3A_244 : i32 to vector<16xi32>
        %parallel_loop3A_246 = arith.addi %parallel_loop3A_196, %parallel_loop3A_245 : vector<16xi32>
        %parallel_loop3A_247 = tpu.vector_load_idx %arg8[%parallel_loop3A_246] : memref<4096xi32, #tpu.memory_space<vmem>>[vector<16xi32>], vector<16xi32>,
        %parallel_loop3A_248 = arith.addi %parallel_loop3A_243, %parallel_loop3A_247 : vector<16xi32>
        %parallel_loop3A_249 = arith.constant 10 : i32
        %parallel_loop3A_250 = vector.broadcast %parallel_loop3A_249 : i32 to vector<16xi32>
        %parallel_loop3A_251 = arith.addi %parallel_loop3A_196, %parallel_loop3A_250 : vector<16xi32>
        %parallel_loop3A_252 = tpu.vector_load_idx %arg8[%parallel_loop3A_251] : memref<4096xi32, #tpu.memory_space<vmem>>[vector<16xi32>], vector<16xi32>,
        %parallel_loop3A_253 = arith.addi %parallel_loop3A_248, %parallel_loop3A_252 : vector<16xi32>
        %parallel_loop3A_254 = arith.constant 11 : i32
        %parallel_loop3A_255 = vector.broadcast %parallel_loop3A_254 : i32 to vector<16xi32>
        %parallel_loop3A_256 = arith.addi %parallel_loop3A_196, %parallel_loop3A_255 : vector<16xi32>
        %parallel_loop3A_257 = tpu.vector_load_idx %arg8[%parallel_loop3A_256] : memref<4096xi32, #tpu.memory_space<vmem>>[vector<16xi32>], vector<16xi32>,
        %parallel_loop3A_258 = arith.addi %parallel_loop3A_253, %parallel_loop3A_257 : vector<16xi32>
        %parallel_loop3A_259 = arith.constant 12 : i32
        %parallel_loop3A_260 = vector.broadcast %parallel_loop3A_259 : i32 to vector<16xi32>
        %parallel_loop3A_261 = arith.addi %parallel_loop3A_196, %parallel_loop3A_260 : vector<16xi32>
        %parallel_loop3A_262 = tpu.vector_load_idx %arg8[%parallel_loop3A_261] : memref<4096xi32, #tpu.memory_space<vmem>>[vector<16xi32>], vector<16xi32>,
        %parallel_loop3A_263 = arith.addi %parallel_loop3A_258, %parallel_loop3A_262 : vector<16xi32>
        %parallel_loop3A_264 = arith.constant 13 : i32
        %parallel_loop3A_265 = vector.broadcast %parallel_loop3A_264 : i32 to vector<16xi32>
        %parallel_loop3A_266 = arith.addi %parallel_loop3A_196, %parallel_loop3A_265 : vector<16xi32>
        %parallel_loop3A_267 = tpu.vector_load_idx %arg8[%parallel_loop3A_266] : memref<4096xi32, #tpu.memory_space<vmem>>[vector<16xi32>], vector<16xi32>,
        %parallel_loop3A_268 = arith.addi %parallel_loop3A_263, %parallel_loop3A_267 : vector<16xi32>
        %parallel_loop3A_269 = arith.constant 14 : i32
        %parallel_loop3A_270 = vector.broadcast %parallel_loop3A_269 : i32 to vector<16xi32>
        %parallel_loop3A_271 = arith.addi %parallel_loop3A_196, %parallel_loop3A_270 : vector<16xi32>
        %parallel_loop3A_272 = tpu.vector_load_idx %arg8[%parallel_loop3A_271] : memref<4096xi32, #tpu.memory_space<vmem>>[vector<16xi32>], vector<16xi32>,
        %parallel_loop3A_273 = arith.addi %parallel_loop3A_268, %parallel_loop3A_272 : vector<16xi32>
        %parallel_loop3A_274 = arith.constant 15 : i32
        %parallel_loop3A_275 = vector.broadcast %parallel_loop3A_274 : i32 to vector<16xi32>
        %parallel_loop3A_276 = arith.addi %parallel_loop3A_196, %parallel_loop3A_275 : vector<16xi32>
        %parallel_loop3A_277 = tpu.vector_load_idx %arg8[%parallel_loop3A_276] : memref<4096xi32, #tpu.memory_space<vmem>>[vector<16xi32>], vector<16xi32>,
        %parallel_loop3A_278 = arith.addi %parallel_loop3A_273, %parallel_loop3A_277 : vector<16xi32>
        %parallel_loop3A_279 = arith.constant 256 : i32
        %parallel_loop3A_280 = arith.muli %parallel_loop3A_192, %parallel_loop3A_279 : i32
        %parallel_loop3A_281 = arith.constant 0 : i32
        %parallel_loop3A_282 = arith.addi %parallel_loop3A_280, %parallel_loop3A_281 : i32
        %parallel_loop3A_283 = arith.index_cast %parallel_loop3A_282 : i32 to index
        %parallel_loop3A_284 = tpu.vector_load %arg8[%parallel_loop3A_283] {strides = array<i32>} : memref<4096xi32, #tpu.memory_space<vmem>>, vector<16xi32>,
        tpu.vector_store %arg8[%parallel_loop3A_283], %broadcast_in_dim3A_137 {strides = array<i32>} : memref<4096xi32, #tpu.memory_space<vmem>>, vector<16xi32>,
        %parallel_loop3A_285 = arith.constant 256 : i32
        %parallel_loop3A_286 = arith.muli %parallel_loop3A_192, %parallel_loop3A_285 : i32
        %parallel_loop3A_287 = arith.constant 16 : i32
        %parallel_loop3A_288 = arith.addi %parallel_loop3A_286, %parallel_loop3A_287 : i32
        %parallel_loop3A_289 = arith.index_cast %parallel_loop3A_288 : i32 to index
        %parallel_loop3A_290 = tpu.vector_load %arg8[%parallel_loop3A_289] {strides = array<i32>} : memref<4096xi32, #tpu.memory_space<vmem>>, vector<16xi32>,
        tpu.vector_store %arg8[%parallel_loop3A_289], %broadcast_in_dim3A_137 {strides = array<i32>} : memref<4096xi32, #tpu.memory_space<vmem>>, vector<16xi32>,
        %parallel_loop3A_291 = arith.constant 256 : i32
        %parallel_loop3A_292 = arith.muli %parallel_loop3A_192, %parallel_loop3A_291 : i32
        %parallel_loop3A_293 = arith.constant 32 : i32
        %parallel_loop3A_294 = arith.addi %parallel_loop3A_292, %parallel_loop3A_293 : i32
        %parallel_loop3A_295 = arith.index_cast %parallel_loop3A_294 : i32 to index
        %parallel_loop3A_296 = tpu.vector_load %arg8[%parallel_loop3A_295] {strides = array<i32>} : memref<4096xi32, #tpu.memory_space<vmem>>, vector<16xi32>,
        tpu.vector_store %arg8[%parallel_loop3A_295], %broadcast_in_dim3A_137 {strides = array<i32>} : memref<4096xi32, #tpu.memory_space<vmem>>, vector<16xi32>,
        %parallel_loop3A_297 = arith.constant 256 : i32
        %parallel_loop3A_298 = arith.muli %parallel_loop3A_192, %parallel_loop3A_297 : i32
        %parallel_loop3A_299 = arith.constant 48 : i32
        %parallel_loop3A_300 = arith.addi %parallel_loop3A_298, %parallel_loop3A_299 : i32
        %parallel_loop3A_301 = arith.index_cast %parallel_loop3A_300 : i32 to index
        %parallel_loop3A_302 = tpu.vector_load %arg8[%parallel_loop3A_301] {strides = array<i32>} : memref<4096xi32, #tpu.memory_space<vmem>>, vector<16xi32>,
        tpu.vector_store %arg8[%parallel_loop3A_301], %broadcast_in_dim3A_137 {strides = array<i32>} : memref<4096xi32, #tpu.memory_space<vmem>>, vector<16xi32>,
        %parallel_loop3A_303 = arith.constant 256 : i32
        %parallel_loop3A_304 = arith.muli %parallel_loop3A_192, %parallel_loop3A_303 : i32
        %parallel_loop3A_305 = arith.constant 64 : i32
        %parallel_loop3A_306 = arith.addi %parallel_loop3A_304, %parallel_loop3A_305 : i32
        %parallel_loop3A_307 = arith.index_cast %parallel_loop3A_306 : i32 to index
        %parallel_loop3A_308 = tpu.vector_load %arg8[%parallel_loop3A_307] {strides = array<i32>} : memref<4096xi32, #tpu.memory_space<vmem>>, vector<16xi32>,
        tpu.vector_store %arg8[%parallel_loop3A_307], %broadcast_in_dim3A_137 {strides = array<i32>} : memref<4096xi32, #tpu.memory_space<vmem>>, vector<16xi32>,
        %parallel_loop3A_309 = arith.constant 256 : i32
        %parallel_loop3A_310 = arith.muli %parallel_loop3A_192, %parallel_loop3A_309 : i32
        %parallel_loop3A_311 = arith.constant 80 : i32
        %parallel_loop3A_312 = arith.addi %parallel_loop3A_310, %parallel_loop3A_311 : i32
        %parallel_loop3A_313 = arith.index_cast %parallel_loop3A_312 : i32 to index
        %parallel_loop3A_314 = tpu.vector_load %arg8[%parallel_loop3A_313] {strides = array<i32>} : memref<4096xi32, #tpu.memory_space<vmem>>, vector<16xi32>,
        tpu.vector_store %arg8[%parallel_loop3A_313], %broadcast_in_dim3A_137 {strides = array<i32>} : memref<4096xi32, #tpu.memory_space<vmem>>, vector<16xi32>,
        %parallel_loop3A_315 = arith.constant 256 : i32
        %parallel_loop3A_316 = arith.muli %parallel_loop3A_192, %parallel_loop3A_315 : i32
        %parallel_loop3A_317 = arith.constant 96 : i32
        %parallel_loop3A_318 = arith.addi %parallel_loop3A_316, %parallel_loop3A_317 : i32
        %parallel_loop3A_319 = arith.index_cast %parallel_loop3A_318 : i32 to index
        %parallel_loop3A_320 = tpu.vector_load %arg8[%parallel_loop3A_319] {strides = array<i32>} : memref<4096xi32, #tpu.memory_space<vmem>>, vector<16xi32>,
        tpu.vector_store %arg8[%parallel_loop3A_319], %broadcast_in_dim3A_137 {strides = array<i32>} : memref<4096xi32, #tpu.memory_space<vmem>>, vector<16xi32>,
        %parallel_loop3A_321 = arith.constant 256 : i32
        %parallel_loop3A_322 = arith.muli %parallel_loop3A_192, %parallel_loop3A_321 : i32
        %parallel_loop3A_323 = arith.constant 112 : i32
        %parallel_loop3A_324 = arith.addi %parallel_loop3A_322, %parallel_loop3A_323 : i32
        %parallel_loop3A_325 = arith.index_cast %parallel_loop3A_324 : i32 to index
        %parallel_loop3A_326 = tpu.vector_load %arg8[%parallel_loop3A_325] {strides = array<i32>} : memref<4096xi32, #tpu.memory_space<vmem>>, vector<16xi32>,
        tpu.vector_store %arg8[%parallel_loop3A_325], %broadcast_in_dim3A_137 {strides = array<i32>} : memref<4096xi32, #tpu.memory_space<vmem>>, vector<16xi32>,
        %parallel_loop3A_327 = arith.constant 256 : i32
        %parallel_loop3A_328 = arith.muli %parallel_loop3A_192, %parallel_loop3A_327 : i32
        %parallel_loop3A_329 = arith.constant 128 : i32
        %parallel_loop3A_330 = arith.addi %parallel_loop3A_328, %parallel_loop3A_329 : i32
        %parallel_loop3A_331 = arith.index_cast %parallel_loop3A_330 : i32 to index
        %parallel_loop3A_332 = tpu.vector_load %arg8[%parallel_loop3A_331] {strides = array<i32>} : memref<4096xi32, #tpu.memory_space<vmem>>, vector<16xi32>,
        tpu.vector_store %arg8[%parallel_loop3A_331], %broadcast_in_dim3A_137 {strides = array<i32>} : memref<4096xi32, #tpu.memory_space<vmem>>, vector<16xi32>,
        %parallel_loop3A_333 = arith.constant 256 : i32
        %parallel_loop3A_334 = arith.muli %parallel_loop3A_192, %parallel_loop3A_333 : i32
        %parallel_loop3A_335 = arith.constant 144 : i32
        %parallel_loop3A_336 = arith.addi %parallel_loop3A_334, %parallel_loop3A_335 : i32
        %parallel_loop3A_337 = arith.index_cast %parallel_loop3A_336 : i32 to index
        %parallel_loop3A_338 = tpu.vector_load %arg8[%parallel_loop3A_337] {strides = array<i32>} : memref<4096xi32, #tpu.memory_space<vmem>>, vector<16xi32>,
        tpu.vector_store %arg8[%parallel_loop3A_337], %broadcast_in_dim3A_137 {strides = array<i32>} : memref<4096xi32, #tpu.memory_space<vmem>>, vector<16xi32>,
        %parallel_loop3A_339 = arith.constant 256 : i32
        %parallel_loop3A_340 = arith.muli %parallel_loop3A_192, %parallel_loop3A_339 : i32
        %parallel_loop3A_341 = arith.constant 160 : i32
        %parallel_loop3A_342 = arith.addi %parallel_loop3A_340, %parallel_loop3A_341 : i32
        %parallel_loop3A_343 = arith.index_cast %parallel_loop3A_342 : i32 to index
        %parallel_loop3A_344 = tpu.vector_load %arg8[%parallel_loop3A_343] {strides = array<i32>} : memref<4096xi32, #tpu.memory_space<vmem>>, vector<16xi32>,
        tpu.vector_store %arg8[%parallel_loop3A_343], %broadcast_in_dim3A_137 {strides = array<i32>} : memref<4096xi32, #tpu.memory_space<vmem>>, vector<16xi32>,
        %parallel_loop3A_345 = arith.constant 256 : i32
        %parallel_loop3A_346 = arith.muli %parallel_loop3A_192, %parallel_loop3A_345 : i32
        %parallel_loop3A_347 = arith.constant 176 : i32
        %parallel_loop3A_348 = arith.addi %parallel_loop3A_346, %parallel_loop3A_347 : i32
        %parallel_loop3A_349 = arith.index_cast %parallel_loop3A_348 : i32 to index
        %parallel_loop3A_350 = tpu.vector_load %arg8[%parallel_loop3A_349] {strides = array<i32>} : memref<4096xi32, #tpu.memory_space<vmem>>, vector<16xi32>,
        tpu.vector_store %arg8[%parallel_loop3A_349], %broadcast_in_dim3A_137 {strides = array<i32>} : memref<4096xi32, #tpu.memory_space<vmem>>, vector<16xi32>,
        %parallel_loop3A_351 = arith.constant 256 : i32
        %parallel_loop3A_352 = arith.muli %parallel_loop3A_192, %parallel_loop3A_351 : i32
        %parallel_loop3A_353 = arith.constant 192 : i32
        %parallel_loop3A_354 = arith.addi %parallel_loop3A_352, %parallel_loop3A_353 : i32
        %parallel_loop3A_355 = arith.index_cast %parallel_loop3A_354 : i32 to index
        %parallel_loop3A_356 = tpu.vector_load %arg8[%parallel_loop3A_355] {strides = array<i32>} : memref<4096xi32, #tpu.memory_space<vmem>>, vector<16xi32>,
        tpu.vector_store %arg8[%parallel_loop3A_355], %broadcast_in_dim3A_137 {strides = array<i32>} : memref<4096xi32, #tpu.memory_space<vmem>>, vector<16xi32>,
        %parallel_loop3A_357 = arith.constant 256 : i32
        %parallel_loop3A_358 = arith.muli %parallel_loop3A_192, %parallel_loop3A_357 : i32
        %parallel_loop3A_359 = arith.constant 208 : i32
        %parallel_loop3A_360 = arith.addi %parallel_loop3A_358, %parallel_loop3A_359 : i32
        %parallel_loop3A_361 = arith.index_cast %parallel_loop3A_360 : i32 to index
        %parallel_loop3A_362 = tpu.vector_load %arg8[%parallel_loop3A_361] {strides = array<i32>} : memref<4096xi32, #tpu.memory_space<vmem>>, vector<16xi32>,
        tpu.vector_store %arg8[%parallel_loop3A_361], %broadcast_in_dim3A_137 {strides = array<i32>} : memref<4096xi32, #tpu.memory_space<vmem>>, vector<16xi32>,
        %parallel_loop3A_363 = arith.constant 256 : i32
        %parallel_loop3A_364 = arith.muli %parallel_loop3A_192, %parallel_loop3A_363 : i32
        %parallel_loop3A_365 = arith.constant 224 : i32
        %parallel_loop3A_366 = arith.addi %parallel_loop3A_364, %parallel_loop3A_365 : i32
        %parallel_loop3A_367 = arith.index_cast %parallel_loop3A_366 : i32 to index
        %parallel_loop3A_368 = tpu.vector_load %arg8[%parallel_loop3A_367] {strides = array<i32>} : memref<4096xi32, #tpu.memory_space<vmem>>, vector<16xi32>,
        tpu.vector_store %arg8[%parallel_loop3A_367], %broadcast_in_dim3A_137 {strides = array<i32>} : memref<4096xi32, #tpu.memory_space<vmem>>, vector<16xi32>,
        %parallel_loop3A_369 = arith.constant 256 : i32
        %parallel_loop3A_370 = arith.muli %parallel_loop3A_192, %parallel_loop3A_369 : i32
        %parallel_loop3A_371 = arith.constant 240 : i32
        %parallel_loop3A_372 = arith.addi %parallel_loop3A_370, %parallel_loop3A_371 : i32
        %parallel_loop3A_373 = arith.index_cast %parallel_loop3A_372 : i32 to index
        %parallel_loop3A_374 = tpu.vector_load %arg8[%parallel_loop3A_373] {strides = array<i32>} : memref<4096xi32, #tpu.memory_space<vmem>>, vector<16xi32>,
        tpu.vector_store %arg8[%parallel_loop3A_373], %broadcast_in_dim3A_137 {strides = array<i32>} : memref<4096xi32, #tpu.memory_space<vmem>>, vector<16xi32>,
        %parallel_loop3A_375 = arith.constant 65535 : i32
        %parallel_loop3A_376 = vector.broadcast %parallel_loop3A_375 : i32 to vector<16xi32>
        %parallel_loop3A_377 = arith.andi %parallel_loop3A_278, %parallel_loop3A_376 : vector<16xi32>
        %parallel_loop3A_378 = arith.constant 16 : i32
        %parallel_loop3A_379 = arith.muli %parallel_loop3A_192, %parallel_loop3A_378 : i32
        %parallel_loop3A_380 = arith.constant 0 : i32
        %parallel_loop3A_381 = arith.index_cast %parallel_loop3A_380 : i32 to index
        %parallel_loop3A_382 = arith.index_cast %parallel_loop3A_379 : i32 to index
        %parallel_loop3A_383 = tpu.vector_load %arg9[%parallel_loop3A_381, %parallel_loop3A_382] {strides = array<i32>} : memref<2x256xi32, #tpu.memory_space<vmem>>, vector<16xi32>,
        tpu.vector_store %arg9[%parallel_loop3A_381, %parallel_loop3A_382], %parallel_loop3A_377 {strides = array<i32>} : memref<2x256xi32, #tpu.memory_space<vmem>>, vector<16xi32>,
        %parallel_loop3A_384 = arith.constant 16 : i32
        %parallel_loop3A_385 = vector.broadcast %parallel_loop3A_384 : i32 to vector<16xi32>
        %parallel_loop3A_386 = arith.shrui %parallel_loop3A_278, %parallel_loop3A_385 : vector<16xi32>
        %parallel_loop3A_387 = arith.constant 16 : i32
        %parallel_loop3A_388 = arith.muli %parallel_loop3A_192, %parallel_loop3A_387 : i32
        %parallel_loop3A_389 = arith.constant 1 : i32
        %parallel_loop3A_390 = arith.index_cast %parallel_loop3A_389 : i32 to index
        %parallel_loop3A_391 = arith.index_cast %parallel_loop3A_388 : i32 to index
        %parallel_loop3A_392 = tpu.vector_load %arg9[%parallel_loop3A_390, %parallel_loop3A_391] {strides = array<i32>} : memref<2x256xi32, #tpu.memory_space<vmem>>, vector<16xi32>,
        tpu.vector_store %arg9[%parallel_loop3A_390, %parallel_loop3A_391], %parallel_loop3A_386 {strides = array<i32>} : memref<2x256xi32, #tpu.memory_space<vmem>>, vector<16xi32>,
      } {sc.loop_unroll_factor = 2 : i64, sc.parallel_access}
      %dma_start3A_184 = arith.constant 0 : i32
      %dma_start3A_185 = arith.constant 0 : i32
      %dma_start3A_186 = tpu.memref_slice %arg4[%add3A, %scan3A_163, %dma_start3A_184, %dma_start3A_185] : memref<32x19x2x256xi32, #tpu.memory_space<hbm>> -> memref<1x1x2x256xi32, #tpu.memory_space<hbm>>
      %dma_start3A_187 = tpu.memref_squeeze %dma_start3A_186 : memref<1x1x2x256xi32, #tpu.memory_space<hbm>> -> memref<2x256xi32, #tpu.memory_space<hbm>>
      %dma_start3A_188 = arith.constant 0 : i32
      %dma_start3A_189 = arith.constant 0 : i32
      %dma_start3A_190 = tpu.memref_slice %arg4[%add3A, %scan3A_163, %dma_start3A_188, %dma_start3A_189] : memref<32x19x2x256xi32, #tpu.memory_space<hbm>> -> memref<1x1x2x256xi32, #tpu.memory_space<hbm>>
      %dma_start3A_191 = tpu.memref_squeeze %dma_start3A_190 : memref<1x1x2x256xi32, #tpu.memory_space<hbm>> -> memref<2x256xi32, #tpu.memory_space<hbm>>
      tpu.enqueue_dma source(%arg9 : memref<2x256xi32, #tpu.memory_space<vmem>>) target(%dma_start3A_191 : memref<2x256xi32, #tpu.memory_space<hbm>>) target_semaphore(%arg13 : memref<!tpu.dma_semaphore, #tpu.memory_space<semaphore_mem>>)
    }
    %scan3A_152 = arith.constant 19 : i32
    %dma_wait3A_153 = arith.constant 0 : i32
    %dma_wait3A_154 = arith.constant 0 : i32
    %dma_wait3A_155 = arith.constant 0 : i32
    %dma_wait3A_156 = arith.constant 0 : i32
    %dma_wait3A_157 = tpu.memref_slice %arg4[%dma_wait3A_153, %dma_wait3A_154, %dma_wait3A_155, %dma_wait3A_156] : memref<32x19x2x256xi32, #tpu.memory_space<hbm>> -> memref<1x1x2x256xi32, #tpu.memory_space<hbm>>
    %dma_wait3A_158 = tpu.memref_squeeze %dma_wait3A_157 : memref<1x1x2x256xi32, #tpu.memory_space<hbm>> -> memref<2x256xi32, #tpu.memory_space<hbm>>
    %dma_wait3A_159 = arith.constant 0 : i32
    %dma_wait3A_160 = arith.constant 0 : i32
    %dma_wait3A_161 = tpu.memref_slice %arg4[%dma_wait3A_153, %dma_wait3A_154, %dma_wait3A_159, %dma_wait3A_160] : memref<32x19x2x256xi32, #tpu.memory_space<hbm>> -> memref<1x1x2x256xi32, #tpu.memory_space<hbm>>
    %dma_wait3A_162 = tpu.memref_squeeze %dma_wait3A_161 : memref<1x1x2x256xi32, #tpu.memory_space<hbm>> -> memref<2x256xi32, #tpu.memory_space<hbm>>
    tpu.wait_dma2 semaphore(%arg13 : memref<!tpu.dma_semaphore, #tpu.memory_space<semaphore_mem>>) src(%arg9 : memref<2x256xi32, #tpu.memory_space<vmem>>) dst(%dma_wait3A_162 : memref<2x256xi32, #tpu.memory_space<hbm>>)
    return
  }
}

module attributes {stable_mosaic.version = 14 : i64} {
  func.func @_tc_reduce_body(%arg0: memref<32x19x512xi32, #tpu.memory_space<vmem>>, %arg1: memref<1x1xf32, #tpu.memory_space<vmem>>) attributes {dimension_semantics = [], scalar_prefetch = 0 : i64, scratch_operands = 0 : i64, tpu.core_type = #tpu.core_type<tc>} {
    %get3A = arith.constant 0 : index
    %get3A_0 = arith.constant 0 : index
    %get3A_1 = arith.constant 0 : index
    %get3A_2 = vector.load %arg0[%get3A, %get3A_0, %get3A_1] : memref<32x19x512xi32, #tpu.memory_space<vmem>>, vector<32x19x512xi32>
    %convert_element_type3A = arith.sitofp %get3A_2 : vector<32x19x512xi32> to vector<32x19x512xf32>
    %reduce_sum3A = arith.constant dense<0.000000e+00> : vector<19x512xf32>
    %reduce_sum3A_3 = vector.multi_reduction <add>, %convert_element_type3A, %reduce_sum3A [0] : vector<32x19x512xf32> to vector<19x512xf32>
    %slice3A = vector.extract_strided_slice %reduce_sum3A_3 {offsets = [0, 0], sizes = [19, 256], strides = [1, 1]} : vector<19x512xf32> to vector<19x256xf32>
    %slice3A_4 = vector.extract_strided_slice %reduce_sum3A_3 {offsets = [0, 256], sizes = [19, 256], strides = [1, 1]} : vector<19x512xf32> to vector<19x256xf32>
    %broadcast_in_dim3A = arith.constant 0.000000e+00 : f32
    %broadcast_in_dim3A_5 = vector.broadcast %broadcast_in_dim3A : f32 to vector<19x1xf32>
    %slice3A_6 = vector.extract_strided_slice %slice3A {offsets = [0, 0], sizes = [19, 255], strides = [1, 1]} : vector<19x256xf32> to vector<19x255xf32>
    %concatenate3A = tpu.concatenate %broadcast_in_dim3A_5, %slice3A_6 in 1 : vector<19x1xf32>, vector<19x255xf32> -> vector<19x256xf32>
    %add3A = arith.addf %slice3A, %concatenate3A : vector<19x256xf32>
    %broadcast_in_dim3A_7 = arith.constant 0.000000e+00 : f32
    %broadcast_in_dim3A_8 = vector.broadcast %broadcast_in_dim3A_7 : f32 to vector<19x2xf32>
    %slice3A_9 = vector.extract_strided_slice %add3A {offsets = [0, 0], sizes = [19, 254], strides = [1, 1]} : vector<19x256xf32> to vector<19x254xf32>
    %concatenate3A_10 = tpu.concatenate %broadcast_in_dim3A_8, %slice3A_9 in 1 : vector<19x2xf32>, vector<19x254xf32> -> vector<19x256xf32>
    %add3A_11 = arith.addf %add3A, %concatenate3A_10 : vector<19x256xf32>
    %broadcast_in_dim3A_12 = arith.constant 0.000000e+00 : f32
    %broadcast_in_dim3A_13 = vector.broadcast %broadcast_in_dim3A_12 : f32 to vector<19x4xf32>
    %slice3A_14 = vector.extract_strided_slice %add3A_11 {offsets = [0, 0], sizes = [19, 252], strides = [1, 1]} : vector<19x256xf32> to vector<19x252xf32>
    %concatenate3A_15 = tpu.concatenate %broadcast_in_dim3A_13, %slice3A_14 in 1 : vector<19x4xf32>, vector<19x252xf32> -> vector<19x256xf32>
    %add3A_16 = arith.addf %add3A_11, %concatenate3A_15 : vector<19x256xf32>
    %broadcast_in_dim3A_17 = arith.constant 0.000000e+00 : f32
    %broadcast_in_dim3A_18 = vector.broadcast %broadcast_in_dim3A_17 : f32 to vector<19x8xf32>
    %slice3A_19 = vector.extract_strided_slice %add3A_16 {offsets = [0, 0], sizes = [19, 248], strides = [1, 1]} : vector<19x256xf32> to vector<19x248xf32>
    %concatenate3A_20 = tpu.concatenate %broadcast_in_dim3A_18, %slice3A_19 in 1 : vector<19x8xf32>, vector<19x248xf32> -> vector<19x256xf32>
    %add3A_21 = arith.addf %add3A_16, %concatenate3A_20 : vector<19x256xf32>
    %broadcast_in_dim3A_22 = arith.constant 0.000000e+00 : f32
    %broadcast_in_dim3A_23 = vector.broadcast %broadcast_in_dim3A_22 : f32 to vector<19x16xf32>
    %slice3A_24 = vector.extract_strided_slice %add3A_21 {offsets = [0, 0], sizes = [19, 240], strides = [1, 1]} : vector<19x256xf32> to vector<19x240xf32>
    %concatenate3A_25 = tpu.concatenate %broadcast_in_dim3A_23, %slice3A_24 in 1 : vector<19x16xf32>, vector<19x240xf32> -> vector<19x256xf32>
    %add3A_26 = arith.addf %add3A_21, %concatenate3A_25 : vector<19x256xf32>
    %broadcast_in_dim3A_27 = arith.constant 0.000000e+00 : f32
    %broadcast_in_dim3A_28 = vector.broadcast %broadcast_in_dim3A_27 : f32 to vector<19x32xf32>
    %slice3A_29 = vector.extract_strided_slice %add3A_26 {offsets = [0, 0], sizes = [19, 224], strides = [1, 1]} : vector<19x256xf32> to vector<19x224xf32>
    %concatenate3A_30 = tpu.concatenate %broadcast_in_dim3A_28, %slice3A_29 in 1 : vector<19x32xf32>, vector<19x224xf32> -> vector<19x256xf32>
    %add3A_31 = arith.addf %add3A_26, %concatenate3A_30 : vector<19x256xf32>
    %broadcast_in_dim3A_32 = arith.constant 0.000000e+00 : f32
    %broadcast_in_dim3A_33 = vector.broadcast %broadcast_in_dim3A_32 : f32 to vector<19x64xf32>
    %slice3A_34 = vector.extract_strided_slice %add3A_31 {offsets = [0, 0], sizes = [19, 192], strides = [1, 1]} : vector<19x256xf32> to vector<19x192xf32>
    %concatenate3A_35 = tpu.concatenate %broadcast_in_dim3A_33, %slice3A_34 in 1 : vector<19x64xf32>, vector<19x192xf32> -> vector<19x256xf32>
    %add3A_36 = arith.addf %add3A_31, %concatenate3A_35 : vector<19x256xf32>
    %broadcast_in_dim3A_37 = arith.constant 0.000000e+00 : f32
    %broadcast_in_dim3A_38 = vector.broadcast %broadcast_in_dim3A_37 : f32 to vector<19x128xf32>
    %slice3A_39 = vector.extract_strided_slice %add3A_36 {offsets = [0, 0], sizes = [19, 128], strides = [1, 1]} : vector<19x256xf32> to vector<19x128xf32>
    %concatenate3A_40 = tpu.concatenate %broadcast_in_dim3A_38, %slice3A_39 in 1 : vector<19x128xf32>, vector<19x128xf32> -> vector<19x256xf32>
    %add3A_41 = arith.addf %add3A_36, %concatenate3A_40 : vector<19x256xf32>
    %broadcast_in_dim3A_42 = arith.constant 0.000000e+00 : f32
    %broadcast_in_dim3A_43 = vector.broadcast %broadcast_in_dim3A_42 : f32 to vector<19x1xf32>
    %slice3A_44 = vector.extract_strided_slice %slice3A_4 {offsets = [0, 0], sizes = [19, 255], strides = [1, 1]} : vector<19x256xf32> to vector<19x255xf32>
    %concatenate3A_45 = tpu.concatenate %broadcast_in_dim3A_43, %slice3A_44 in 1 : vector<19x1xf32>, vector<19x255xf32> -> vector<19x256xf32>
    %add3A_46 = arith.addf %slice3A_4, %concatenate3A_45 : vector<19x256xf32>
    %broadcast_in_dim3A_47 = arith.constant 0.000000e+00 : f32
    %broadcast_in_dim3A_48 = vector.broadcast %broadcast_in_dim3A_47 : f32 to vector<19x2xf32>
    %slice3A_49 = vector.extract_strided_slice %add3A_46 {offsets = [0, 0], sizes = [19, 254], strides = [1, 1]} : vector<19x256xf32> to vector<19x254xf32>
    %concatenate3A_50 = tpu.concatenate %broadcast_in_dim3A_48, %slice3A_49 in 1 : vector<19x2xf32>, vector<19x254xf32> -> vector<19x256xf32>
    %add3A_51 = arith.addf %add3A_46, %concatenate3A_50 : vector<19x256xf32>
    %broadcast_in_dim3A_52 = arith.constant 0.000000e+00 : f32
    %broadcast_in_dim3A_53 = vector.broadcast %broadcast_in_dim3A_52 : f32 to vector<19x4xf32>
    %slice3A_54 = vector.extract_strided_slice %add3A_51 {offsets = [0, 0], sizes = [19, 252], strides = [1, 1]} : vector<19x256xf32> to vector<19x252xf32>
    %concatenate3A_55 = tpu.concatenate %broadcast_in_dim3A_53, %slice3A_54 in 1 : vector<19x4xf32>, vector<19x252xf32> -> vector<19x256xf32>
    %add3A_56 = arith.addf %add3A_51, %concatenate3A_55 : vector<19x256xf32>
    %broadcast_in_dim3A_57 = arith.constant 0.000000e+00 : f32
    %broadcast_in_dim3A_58 = vector.broadcast %broadcast_in_dim3A_57 : f32 to vector<19x8xf32>
    %slice3A_59 = vector.extract_strided_slice %add3A_56 {offsets = [0, 0], sizes = [19, 248], strides = [1, 1]} : vector<19x256xf32> to vector<19x248xf32>
    %concatenate3A_60 = tpu.concatenate %broadcast_in_dim3A_58, %slice3A_59 in 1 : vector<19x8xf32>, vector<19x248xf32> -> vector<19x256xf32>
    %add3A_61 = arith.addf %add3A_56, %concatenate3A_60 : vector<19x256xf32>
    %broadcast_in_dim3A_62 = arith.constant 0.000000e+00 : f32
    %broadcast_in_dim3A_63 = vector.broadcast %broadcast_in_dim3A_62 : f32 to vector<19x16xf32>
    %slice3A_64 = vector.extract_strided_slice %add3A_61 {offsets = [0, 0], sizes = [19, 240], strides = [1, 1]} : vector<19x256xf32> to vector<19x240xf32>
    %concatenate3A_65 = tpu.concatenate %broadcast_in_dim3A_63, %slice3A_64 in 1 : vector<19x16xf32>, vector<19x240xf32> -> vector<19x256xf32>
    %add3A_66 = arith.addf %add3A_61, %concatenate3A_65 : vector<19x256xf32>
    %broadcast_in_dim3A_67 = arith.constant 0.000000e+00 : f32
    %broadcast_in_dim3A_68 = vector.broadcast %broadcast_in_dim3A_67 : f32 to vector<19x32xf32>
    %slice3A_69 = vector.extract_strided_slice %add3A_66 {offsets = [0, 0], sizes = [19, 224], strides = [1, 1]} : vector<19x256xf32> to vector<19x224xf32>
    %concatenate3A_70 = tpu.concatenate %broadcast_in_dim3A_68, %slice3A_69 in 1 : vector<19x32xf32>, vector<19x224xf32> -> vector<19x256xf32>
    %add3A_71 = arith.addf %add3A_66, %concatenate3A_70 : vector<19x256xf32>
    %broadcast_in_dim3A_72 = arith.constant 0.000000e+00 : f32
    %broadcast_in_dim3A_73 = vector.broadcast %broadcast_in_dim3A_72 : f32 to vector<19x64xf32>
    %slice3A_74 = vector.extract_strided_slice %add3A_71 {offsets = [0, 0], sizes = [19, 192], strides = [1, 1]} : vector<19x256xf32> to vector<19x192xf32>
    %concatenate3A_75 = tpu.concatenate %broadcast_in_dim3A_73, %slice3A_74 in 1 : vector<19x64xf32>, vector<19x192xf32> -> vector<19x256xf32>
    %add3A_76 = arith.addf %add3A_71, %concatenate3A_75 : vector<19x256xf32>
    %broadcast_in_dim3A_77 = arith.constant 0.000000e+00 : f32
    %broadcast_in_dim3A_78 = vector.broadcast %broadcast_in_dim3A_77 : f32 to vector<19x128xf32>
    %slice3A_79 = vector.extract_strided_slice %add3A_76 {offsets = [0, 0], sizes = [19, 128], strides = [1, 1]} : vector<19x256xf32> to vector<19x128xf32>
    %concatenate3A_80 = tpu.concatenate %broadcast_in_dim3A_78, %slice3A_79 in 1 : vector<19x128xf32>, vector<19x128xf32> -> vector<19x256xf32>
    %add3A_81 = arith.addf %add3A_76, %concatenate3A_80 : vector<19x256xf32>
    %slice3A_82 = vector.extract_strided_slice %add3A_41 {offsets = [0, 255], sizes = [19, 1], strides = [1, 1]} : vector<19x256xf32> to vector<19x1xf32>
    %slice3A_83 = vector.extract_strided_slice %add3A_81 {offsets = [0, 255], sizes = [19, 1], strides = [1, 1]} : vector<19x256xf32> to vector<19x1xf32>
    %sub3A = vector.broadcast %slice3A_82 : vector<19x1xf32> to vector<19x256xf32>
    %sub3A_84 = arith.subf %sub3A, %add3A_41 : vector<19x256xf32>
    %sub3A_85 = vector.broadcast %slice3A_83 : vector<19x1xf32> to vector<19x256xf32>
    %sub3A_86 = arith.subf %sub3A_85, %add3A_81 : vector<19x256xf32>
    %sub3A_87 = arith.subf %slice3A, %slice3A_4 : vector<19x256xf32>
    %sub3A_88 = arith.subf %sub3A_84, %sub3A_86 : vector<19x256xf32>
    %sub3A_89 = vector.broadcast %slice3A_83 : vector<19x1xf32> to vector<19x256xf32>
    %sub3A_90 = arith.subf %sub3A_89, %sub3A_86 : vector<19x256xf32>
    %mul3A = arith.mulf %sub3A_90, %sub3A_87 : vector<19x256xf32>
    %add3A_91 = vector.broadcast %slice3A_83 : vector<19x1xf32> to vector<19x256xf32>
    %add3A_92 = arith.addf %add3A_91, %sub3A_88 : vector<19x256xf32>
    %mul3A_93 = arith.mulf %slice3A_4, %add3A_92 : vector<19x256xf32>
    %add3A_94 = arith.addf %mul3A, %mul3A_93 : vector<19x256xf32>
    %add3A_95 = vector.broadcast %slice3A_83 : vector<19x1xf32> to vector<19x256xf32>
    %add3A_96 = arith.addf %add3A_95, %sub3A_88 : vector<19x256xf32>
    %add3A_97 = vector.broadcast %slice3A_83 : vector<19x1xf32> to vector<19x256xf32>
    %add3A_98 = arith.addf %add3A_97, %sub3A_88 : vector<19x256xf32>
    %add3A_99 = arith.addf %add3A_98, %sub3A_87 : vector<19x256xf32>
    %mul3A_100 = arith.mulf %add3A_96, %add3A_99 : vector<19x256xf32>
    %max3A = arith.constant 1.000000e+00 : f32
    %max3A_101 = vector.broadcast %max3A : f32 to vector<19x256xf32>
    %max3A_102 = arith.maximumf %mul3A_100, %max3A_101 : vector<19x256xf32>
    %div3A = arith.divf %add3A_94, %max3A_102 : vector<19x256xf32>
    %add3A_103 = arith.addf %sub3A_84, %slice3A : vector<19x256xf32>
    %gt3A = arith.constant 0.000000e+00 : f32
    %gt3A_104 = vector.broadcast %gt3A : f32 to vector<19x256xf32>
    %gt3A_105 = arith.cmpf ogt, %add3A_103, %gt3A_104 : vector<19x256xf32>
    %convert_element_type3A_106 = arith.extui %gt3A_105 : vector<19x256xi1> to vector<19x256xi32>
    %convert_element_type3A_107 = arith.sitofp %convert_element_type3A_106 : vector<19x256xi32> to vector<19x256xf32>
    %gt3A_108 = arith.constant 0.000000e+00 : f32
    %gt3A_109 = vector.broadcast %gt3A_108 : f32 to vector<19x256xf32>
    %gt3A_110 = arith.cmpf ogt, %sub3A_84, %gt3A_109 : vector<19x256xf32>
    %convert_element_type3A_111 = arith.extui %gt3A_110 : vector<19x256xi1> to vector<19x256xi32>
    %convert_element_type3A_112 = arith.sitofp %convert_element_type3A_111 : vector<19x256xi32> to vector<19x256xf32>
    %sub3A_113 = arith.subf %convert_element_type3A_107, %convert_element_type3A_112 : vector<19x256xf32>
    %gt3A_114 = arith.constant 0.000000e+00 : f32
    %gt3A_115 = vector.broadcast %gt3A_114 : f32 to vector<19x1xf32>
    %gt3A_116 = arith.cmpf ogt, %slice3A_83, %gt3A_115 : vector<19x1xf32>
    %broadcast_in_dim3A_117 = vector.shape_cast %gt3A_116 : vector<19x1xi1> to vector<19x1xi1>
    %broadcast_in_dim3A_118 = vector.broadcast %broadcast_in_dim3A_117 : vector<19x1xi1> to vector<19x256xi1>
    %select_n3A = arith.select %broadcast_in_dim3A_118, %div3A, %sub3A_113 : vector<19x256xi1>, vector<19x256xf32>
    %iota3A = tpu.iota {dimensions = array<i32: 1>} : vector<19x256xi32>
    %convert_element_type3A_119 = arith.sitofp %iota3A : vector<19x256xi32> to vector<19x256xf32>
    %add3A_120 = arith.constant 5.000000e-01 : f32
    %add3A_121 = vector.broadcast %add3A_120 : f32 to vector<19x256xf32>
    %add3A_122 = arith.addf %convert_element_type3A_119, %add3A_121 : vector<19x256xf32>
    %mul3A_123 = arith.constant 0.0039138943 : f32
    %mul3A_124 = vector.broadcast %mul3A_123 : f32 to vector<19x256xf32>
    %mul3A_125 = arith.mulf %add3A_122, %mul3A_124 : vector<19x256xf32>
    %mul3A_126 = arith.mulf %mul3A_125, %select_n3A : vector<19x256xf32>
    %reduce_sum3A_127 = vector.shape_cast %mul3A_126 : vector<19x256xf32> to vector<1x19x256xf32>
    %reduce_sum3A_128 = arith.constant dense<0.000000e+00> : vector<1xf32>
    %reduce_sum3A_129 = vector.multi_reduction <add>, %reduce_sum3A_127, %reduce_sum3A_128 [1, 2] : vector<1x19x256xf32> to vector<1xf32>
    %reduce_sum3A_130 = vector.shape_cast %reduce_sum3A_129 : vector<1xf32> to vector<1x1x1xf32>
    %reduce_sum3A_131 = vector.extract %reduce_sum3A_130[0, 0, 0] : f32 from vector<1x1x1xf32>
    %mul3A_132 = arith.constant 0.0526315793 : f32
    %mul3A_133 = arith.mulf %reduce_sum3A_131, %mul3A_132 : f32
    %reshape3A = vector.broadcast %mul3A_133 : f32 to vector<1x1xf32>
    %swap3A = arith.constant 0 : index
    %swap3A_134 = arith.constant 0 : index
    %swap3A_135 = vector.load %arg1[%swap3A, %swap3A_134] : memref<1x1xf32, #tpu.memory_space<vmem>>, vector<1x1xf32>
    tpu.vector_store %arg1[%swap3A, %swap3A_134], %reshape3A {strides = array<i32>} : memref<1x1xf32, #tpu.memory_space<vmem>>, vector<1x1xf32>,
    return
  }
}

</mosaic_0001>

<sc_bundles>
// kernel: kernel.4.cloned.1.call-start
scs
__scs_entry_jumppad:
0x0: {  	(pc) =	sbr.rel $0x88, $3  }
0x1: {  	(tag) =	ssettag $0x0;
	lr =	simm.s32 $0x1  }
0x2: {  	[smem:$0x3F9F] =	sst lr;
	_ =	strace $0xD0000000  }
0x3: {  	_ = 	snop  }
0x4: {  	_ = 	snop  }
0x5: {  	_ = 	snop  }
0x6: {  	_ = 	snop  }
0x7: {  	_ = 	snop  }
__scs_overlays_trampoline_lowered:
0x8: {  	[smem:$0x3FAE] =	sst s0  }
0x9: {  	[smem:$0x3FAF] =	sst s1  }
0xa: {  	[smem:$0x3FB0] =	sst s2  }
0xb: {  	[smem:$0x3FB1] =	sst s3  }
0xc: {  	[smem:$0x3FB2] =	sst s4  }
0xd: {  	[smem:$0x3FB3] =	sst s5  }
0xe: {  	[smem:$0x3FB4] =	sst s6  }
0xf: {  	[smem:$0x3FB5] =	sst s7  }
0x10: {  	[smem:$0x3FB6] =	sst s8  }
0x11: {  	[smem:$0x3FB7] =	sst s9;
	s0 =	simm.s32 @!p0 $0x0  }
0x12: {  	s1 =	sld [smem:$0x3F9D];
	s0 =	simm.s32 @p0 $0x1  }
0x13: {  	[smem:$0x3FB8] =	sst s0;
	s0 =	simm.s32 @!p1 $0x0  }
0x14: {  	s2 =	sld [smem:$0x3F9C];
	s0 =	simm.s32 @p1 $0x1  }
0x15: {  	[smem:$0x3FB9] =	sst s0;
	s0 =	simm.s32 @!p2 $0x0  }
0x16: {  	s3 =	sld [smem:$0x3FDB];
	s0 =	simm.s32 @p2 $0x1  }
0x17: {  	s4 =	simm.s32 $0x1BF5;
	[smem:$0x3FBB] =	sst s0  }
0x18: {  	s0 =	sld [smem:$0x3F9E];
	_ =	swait.ge [sflag:s4], $0x0  }
0x19: {  	s7 =	sld [smem:$0x3F9F]  }
0x1a: {  	s8 =	sadd.s32 $0xFFFFE003, lr  }
0x1b: {  	s9 =	sadd.s32 $0xFFFFFEF7, lr;
	s5 =	simm.s32 $0xFFFFFFFF;
	p2 =	slt.u32 s8, $0xFFFFF086  }
0x1c: {  	p1 =	slt.u32 s9, $0xF7A;
	s5 =	simm.s32 @!p2 $0x0  }
0x1d: {  	s5 =	simm.s32 @p1 $0x1;
	p0 =	seq.s32 s7, s2  }
0x1e: {  	s7 =	smul.u32 @!p0 $0xF7A, s2;
	p2 =	seq.s32 @!p0 s5, $0x0  }
0x1f: {  	s9 =	smul.u32 $0xF7A, s1;
	s8 =	simm.s32 @!p0 $0x1BF5;
	p2 =	por !p2, p0  }
0x20: {  	[sflag:s8] =	ssyncset.s32 @!p0 $0xFFFFF086;
	s6 =	sadd.s32 @!p0 s3, s7;
	s7 =	simm.s32 @!p0 $0x108  }
0x21: {  	s3 =	sadd.s32 s3, s9;
	s6 =	sadd.s32 @!p0 $0x88, s6;
	s7 =	simm.s32 @p2 $0x1082  }
0x22: {  	[simem:s7], [sflag:s8] =	dma.local @!p0 [hbm:s6], $0xF7A  }
0x23: {  	s9 =	sor.u32 $0xD0000000, s2;
	s6 =	simm.s32 $0x108;
	_ =	swait.ge @!p0 [sflag:s8], $0x0  }
0x24: {  	s3 =	sadd.s32 $0x88, s3;
	s6 =	simm.s32 @!p1 $0x1082;
	[sflag:s4] =	ssyncset.s32 $0xFFFFF086  }
0x25: {  	[simem:s6], [sflag:s4] =	dma.local [hbm:s3], $0xF7A  }
0x26: {  	[smem:$0x3F9F] =	sst s1;
	(tag) =	ssettag s2;
	_ =	strace s9  }
0x27: {  	s1 =	sld [smem:$0x3FAF]  }
0x28: {  	s2 =	sld [smem:$0x3FB0]  }
0x29: {  	s4 =	sld [smem:$0x3FB2]  }
0x2a: {  	p0 =	seq.s32 s5, $0x0;
	s5 =	sld [smem:$0x3FB3]  }
0x2b: {  	s6 =	sld [smem:$0x3FB4]  }
0x2c: {  	s7 =	sld [smem:$0x3FB5]  }
0x2d: {  	s3 =	simm.s32 $0x108;
	s8 =	sld [smem:$0x3FB6]  }
0x2e: {  	s3 =	simm.s32 @!p0 $0x1082;
	s9 =	sld [smem:$0x3FB7]  }
0x2f: {  	lr =	sadd.s32 s0, s3;
	s0 =	sld [smem:$0x3FAE]  }
0x30: {  	s3 =	sld [smem:$0x3FB1]  }
0x31: {  	[smem:$0x3FBA] =	sst s10  }
0x32: {  	s10 =	sld [smem:$0x3FB8];
	_ =	sdelay $0x3  }
0x33: {  	p0 =	seq.s32 s10, $0x1;
	s10 =	sld [smem:$0x3FBA];
	_ =	sdelay $0x3  }
0x34: {  	[smem:$0x3FBA] =	sst s10  }
0x35: {  	s10 =	sld [smem:$0x3FB9];
	_ =	sdelay $0x3  }
0x36: {  	p1 =	seq.s32 s10, $0x1;
	s10 =	sld [smem:$0x3FBA];
	_ =	sdelay $0x3  }
0x37: {  	[smem:$0x3FBA] =	sst s10  }
0x38: {  	s10 =	sld [smem:$0x3FBB]  }
0x39: {  	_ = 	snop;
	(pc) =	sbr.ind lr, $3  }
0x3a: {  	_ = 	snop  }
0x3b: {  	_ = 	snop  }
0x3c: {  	p2 =	seq.s32 s10, $0x1;
	s10 =	sld [smem:$0x3FBA]  }
0x3d: {  	_ =	shalt  }
0x3e: {  	_ =	shalt  }
0x3f: {  	_ =	shalt  }
0x40: {  	_ =	shalt  }
0x41: {  	_ =	shalt  }
0x42: {  	_ =	shalt  }
0x43: {  	_ =	shalt  }
0x44: {  	_ =	shalt  }
0x45: {  	_ =	shalt  }
0x46: {  	_ =	shalt  }
0x47: {  	_ =	shalt  }
0x48: {  	_ =	shalt  }
0x49: {  	_ =	shalt  }
0x4a: {  	_ =	shalt  }
0x4b: {  	_ =	shalt  }
0x4c: {  	_ =	shalt  }
0x4d: {  	_ =	shalt  }
0x4e: {  	_ =	shalt  }
0x4f: {  	_ =	shalt  }
0x50: {  	_ =	shalt  }
0x51: {  	_ =	shalt  }
0x52: {  	_ =	shalt  }
0x53: {  	_ =	shalt  }
0x54: {  	_ =	shalt  }
0x55: {  	_ =	shalt  }
0x56: {  	_ =	shalt  }
0x57: {  	_ =	shalt  }
0x58: {  	_ =	shalt  }
0x59: {  	_ =	shalt  }
0x5a: {  	_ =	shalt  }
0x5b: {  	_ =	shalt  }
0x5c: {  	_ =	shalt  }
0x5d: {  	_ =	shalt  }
0x5e: {  	_ =	shalt  }
0x5f: {  	_ =	shalt  }
0x60: {  	_ =	shalt  }
0x61: {  	_ =	shalt  }
0x62: {  	_ =	shalt  }
0x63: {  	_ =	shalt  }
0x64: {  	_ =	shalt  }
0x65: {  	_ =	shalt  }
0x66: {  	_ =	shalt  }
0x67: {  	_ =	shalt  }
0x68: {  	_ =	shalt  }
0x69: {  	_ =	shalt  }
0x6a: {  	_ =	shalt  }
0x6b: {  	_ =	shalt  }
0x6c: {  	_ =	shalt  }
0x6d: {  	_ =	shalt  }
0x6e: {  	_ =	shalt  }
0x6f: {  	_ =	shalt  }
0x70: {  	_ =	shalt  }
0x71: {  	_ =	shalt  }
0x72: {  	_ =	shalt  }
0x73: {  	_ =	shalt  }
0x74: {  	_ =	shalt  }
0x75: {  	_ =	shalt  }
0x76: {  	_ =	shalt  }
0x77: {  	_ =	shalt  }
0x78: {  	_ =	shalt  }
0x79: {  	_ =	shalt  }
0x7a: {  	_ =	shalt  }
0x7b: {  	_ =	shalt  }
0x7c: {  	_ =	shalt  }
0x7d: {  	_ =	shalt  }
0x7e: {  	_ =	shalt  }
0x7f: {  	_ =	shalt  }
0x80: {  	_ =	shalt  }
0x81: {  	_ =	shalt  }
0x82: {  	_ =	shalt  }
0x83: {  	_ =	shalt  }
0x84: {  	_ =	shalt  }
0x85: {  	_ =	shalt  }
0x86: {  	_ =	shalt  }
0x87: {  	_ =	shalt  }
.Lfunc_end0:
.L_simem_size_0:
called_computation_lowered:
.L_overlay_start_0:
0x88: {  	s2 =	sld [smem:$0x3FD9]  }
0x89: {  	s3 =	sld [smem:$0x3FFE];
	_ =	sdelay $0x1  }
0x8a: {  	s1 =	srdreg.scid  }
0x8b: {  	s0 =	sand.u32 $0x1, s1  }
0x8c: {  	s17 =	sshll.u32 s0, $0xA;
	s2 =	sadd.s32 s3, s2  }
0x8d: {  	s2 =	sadd.s32 s2, s17  }
0x8e: {  	[smem:$0x3FC6] =	sst s2  }
0x8f: {  	_ = 	snop  }
0x90: {  	s2 =	sld [smem:$0x3FC9]  }
0x91: {  	s18 =	sld [smem:$0x3FC8];
	(tm) =	ssettm $0x1  }
0x92: {  	s4 =	sld [smem:$0x3FFB];
	_ =	sdelay $0x3  }
0x93: {  	_ =	strace s4  }
0x94: {  	s4 =	sld [smem:$0x3FFC];
	_ =	sdelay $0x3  }
0x95: {  	_ =	strace s4  }
0x96: {  	s4 =	sld [smem:$0x3FFD];
	_ =	sdelay $0x3  }
0x97: {  	_ =	strace s4  }
0x98: {  	_ =	strace $0x8FFFFFFF  }
0x99: {  	s19 =	sld [smem:$0x3FDB];
	_ =	sdelay $0x1  }
0x9a: {  	s5 =	simm.s32 $_scs_section_size  }
0x9b: {  	s6 =	simm.s32 $_size__tile_overlayer_lowered;
	s7 =	simm.s32 $_tile_overlayer_lowered  }
0x9c: {  	s22 =	simm.s32 $0x1BFF;
	s21 =	sshll.u32 s7, $0x1;
	s4 =	sadd.s32 s5, s19  }
0x9d: {  	s8 =	simm.s32 $0x0;
	s20 =	sshll.u32 s6, $0x1;
	s6 =	sadd.s32 s21, s4  }
0x9e: {  	[timem:s8], [sflag:s22] =	dma.local [hbm:s6], s20  }
0x9f: {  	_ =	swait.ge [sflag:s22], s20  }
0xa0: {  	s5 =	ssub.s32 $0x0, s20;
	[sflag:s22] =	ssyncset.done $0x0  }
0xa1: {  	[sflag:s22] =	ssyncadd.s32 s5;
	_ =	sdelay $0x1  }
0xa2: {  	s23 =	simm.s32 $0x1B8B  }
0xa3: {  	_ =	swait.ge [sflag:s23], $0x1  }
0xa4: {  	[sflag:s23] =	ssyncset.done $0x0  }
0xa5: {  	s25 =	simm.s32 $0x1B8E;
	s24 =	sld [smem:$0x3FFE];
	[sflag:s23] =	ssyncadd.s32 $0xFFFFFFFF  }
0xa6: {  	s26 =	simm.s32 $execute0_lowered;
	[smem:$0x3FD2] =	sst s25  }
0xa7: {  	s6 =	sshll.u32 s26, $0x1;
	_ =	strace $0x80000046;
	[dreg:$0x1] =	wrdreg $0xFFFFFFFF  }
0xa8: {  	s28 =	simm.s32 $_size_execute0_lowered;
	s4 =	sadd.s32 s4, s6;
	[dreg:$0x0] =	wrdreg $0x0  }
0xa9: {  	s6 =	sshll.u32 s28, $0x1;
	[dreg:$0x2] =	wrdreg s4  }
0xaa: {  	[dreg:$0x3] =	wrdreg s6  }
0xab: {  	[dreg:$0x4] =	wrdreg $0xC0  }
0xac: {  	_ =	task [dreg:s8], $0x5FFFF  }
0xad: {  	[dreg:$0x1] =	wrdreg $0xFFFFFFFF  }
0xae: {  	[dreg:$0x0] =	wrdreg $0x60  }
0xaf: {  	[dreg:$0x2] =	wrdreg s2  }
0xb0: {  	[dreg:$0x3] =	wrdreg s18  }
0xb1: {  	[dreg:$0x4] =	wrdreg s24  }
0xb2: {  	[dreg:$0x5] =	wrdreg $0x9  }
0xb3: {  	_ =	task.clear_ibuf [dreg:s8], $0x6FFFF;
	_ =	strace $0x90000046  }
0xb4: {  	s29 =	simm.s32 $0x9;
	_ =	strace $0x80000048  }
0xb5: {  	_ =	swait.ge [sflag:s29], $0x1  }
0xb6: {  	[sflag:s29] =	ssyncadd.s32 $0xFFFFFFFF  }
0xb7: {  	_ =	strace $0x90000048  }
0xb8: {  	_ =	sfence  }
0xb9: {  	s30 =	sld [smem:$0x0];
	_ =	sdelay $0x2  }
0xba: {  	s31 =	sshll.u32 s1, $0xD;
	s1 =	sshrl.u32 s1, $0x2  }
0xbb: {  	s3 =	sand.u32 $0x4000, s31;
	s1 =	sadd.s32 s1, s30  }
0xbc: {  	s0 =	sor.u32 s3, s0;
	s1 =	sshll.u32 s1, $0x11  }
0xbd: {  	s0 =	sor.u32 s1, s0  }
0xbe: {  	s0 =	sadd.s32 $0x8F2B, s0  }
0xbf: {  	[sflag:s0] =	ssyncadd.remote.s32 $0x1  }
0xc0: {  	_ =	sfence.sel $0xFFFF  }
0xc1: {  	[dreg:$0x0] =	wrdreg $0xFFFFFFFF;
	(pc) =	sbr.abs _section_cstart, $3  }
0xc2: {  	[dreg:$0x1] =	wrdreg $0xFFFFFFFF  }
0xc3: {  	_ =	task.clear_ibuf [dreg:s8], $0x2FFFF;
	_ =	strace $0x9FFFFFFF  }
0xc4: {  	(tm) =	ssettm $0x7FFFFFFF  }
0xc5: {  	_ =	shalt  }
tec
execute0_lowered:
.L_overlay_start_1:
0x0: {  	(tag) =	ssettag $0x1  }
0x1: {  	s1 =	rddreg [dreg:$0x0]  }
0x2: {  	s0 =	rddreg [dreg:$0x1]  }
0x3: {  	s2 =	rddreg [dreg:$0x2]  }
0x4: {  	s4 =	srdreg.scid;
	s5 =	stileid.u32  }
0x5: {  	s3 =	simm.s32 $0x0;
	s17 =	simm.s32 $0x3;
	s19 =	simm.s32 $0xA000  }
0x6: {  	v0 =	vlaneseq.u32;
	s20 =	simm.s32 $0x1;
	s21 =	simm.s32 $0xC000;
	s22 =	simm.s32 $0x2  }
0x7: {  	s23 =	simm.s32 $0xD000;
	s24 =	simm.s32 $0x4;
	s25 =	simm.s32 $0x0;
	v2 =	vand.u32 $0x7, v0;
	v1 =	vmul.u32 $0x10, v0  }
0x8: {  	v3 =	vimm.s32 $0x1;
	s4 =	sand.u32 $0x1, s4;
	s5 =	sshll.u32 s5, $0x1;
	[smem:$0x7FF] =	sst s3;
	v20 =	vmul.u32 $0x10, v2  }
0x9: {  	s12 =	sor.u32 s4, s5;
	_ =	strace $0x80000047;
	s6 =	ssub.s32 $0x2, s4;
	v2 =	vimm.s32 $0x0;
	v5 =	vor.u32 $0x1, v1;
	v6 =	vor.u32 $0x2, v1  }
0xa: {  	s4 =	sadd.s32 $0x400, s2;
	s10 =	sshll.u32 s12, $0xA;
	s28 =	sshrl.u32 s6, $0x1;
	v7 =	vor.u32 $0x3, v1;
	v8 =	vor.u32 $0x4, v1;
	v9 =	vor.u32 $0x5, v1  }
0xb: {  	v10 =	vor.u32 $0x6, v1;
	v11 =	vor.u32 $0x7, v1;
	v12 =	vor.u32 $0x8, v1;
	s5 =	sadd.s32 s0, s10;
	s29 =	ssub.s32 s6, s28;
	s6 =	sshll.u32 s12, $0xD  }
0xc: {  	v13 =	vor.u32 $0x9, v1;
	v14 =	vor.u32 $0xA, v1;
	v15 =	vor.u32 $0xB, v1;
	s10 =	sadd.s32 s1, s10;
	s12 =	smul.u32 $0x2600, s12;
	s30 =	sadd.s32 $0x8000, s5  }
0xd: {  	v16 =	vor.u32 $0xC, v1;
	v17 =	vor.u32 $0xD, v1;
	v18 =	vor.u32 $0xE, v1;
	s31 =	sadd.s32 $0x10000, s5;
	s9 =	sadd.s32 $0x18000, s5;
	[dreg:$0x4] =	wrdreg s30  }
0xe: {  	v19 =	vor.u32 $0xF, v1;
	v4 =	vor.u32 $0xFFFFFE80, v20;
	v20 =	vor.u32 $0xFFFFFF80, v20;
	s11 =	sor.u32 $0x980000, s6;
	s13 =	smax.u32 s29, $0x1;
	[dreg:$0x5] =	wrdreg s31  }
.LBB2_1:
0xf: {  	[tilespmem:s3], [sflag:$0x3] =	stream.linear.gather [hbm4b:s5+s3], $0x2000, $0x38;
	[tilespmem:$0xD200] =	vst v63  }
0x10: {  	s0 =	rddreg [dreg:$0x4];
	s2 =	simm.s32 $0x2000  }
0x11: {  	[tilespmem:s2], [sflag:$0x3] =	stream.linear.gather [hbm4b:s0+s3], $0x2000, $0x38;
	[tilespmem:$0xD200] =	vst v63  }
0x12: {  	s29 =	rddreg [dreg:$0x5];
	s30 =	simm.s32 $0x4000  }
0x13: {  	[tilespmem:s30], [sflag:$0x3] =	stream.linear.gather [hbm4b:s29+s3], $0x2000, $0x38;
	[tilespmem:$0xD200] =	vst v63  }
0x14: {  	s31 =	simm.s32 $0x6000  }
0x15: {  	[tilespmem:s31], [sflag:$0x3] =	stream.linear.gather [hbm4b:s9+s3], $0x2000, $0x38;
	[tilespmem:$0xD200] =	vst v63  }
0x16: {  	_ =	swait.ge [sflag:s17], $0x2000  }
0x17: {  	[sflag:s17] =	ssyncset.done $0x0  }
0x18: {  	[sflag:s17] =	ssyncadd.s32 $0xFFFFE000  }
0x19: {  	_ =	swait.ge [sflag:s17], $0x2000  }
0x1a: {  	[sflag:s17] =	ssyncset.done $0x0  }
0x1b: {  	[sflag:s17] =	ssyncadd.s32 $0xFFFFE000  }
0x1c: {  	_ =	swait.ge [sflag:s17], $0x2000  }
0x1d: {  	[sflag:s17] =	ssyncset.done $0x0  }
0x1e: {  	[sflag:s17] =	ssyncadd.s32 $0xFFFFE000  }
0x1f: {  	_ =	swait.ge [sflag:s17], $0x2000  }
0x20: {  	[sflag:s17] =	ssyncset.done $0x0  }
0x21: {  	s0 =	simm.s32 $0xC040;
	[sflag:s17] =	ssyncadd.s32 $0xFFFFE000  }
0x22: {  	[tilespmem:s0+$0xFFFFFFC0] =	vst v2  }
0x23: {  	[tilespmem:s0+$0x30] =	vst v2  }
0x24: {  	[tilespmem:s0+$0x20] =	vst v2  }
0x25: {  	[tilespmem:s0+$0x10] =	vst v2  }
0x26: {  	[tilespmem:s0+$0x0] =	vst v2  }
0x27: {  	[tilespmem:s0+$0xFFFFFFF0] =	vst v2  }
0x28: {  	s2 =	simm.s32 $0x0;
	[tilespmem:s0+$0xFFFFFFE0] =	vst v2  }
.LBB2_2:
0x29: {  	s2 =	sadd.s32 $0x8, s2;
	[tilespmem:s0+$0xFFFFFFD0] =	vst v2;
	s0 =	sadd.s32 $0x80, s0  }
0x2a: {  	[tilespmem:s0+$0xFFFFFFC0] =	vst v2;
	p0 =	slt.u32 s2, $0xF8  }
0x2b: {  	[tilespmem:s0+$0x30] =	vst v2  }
.Ltmp0:
0x2c: {  	[tilespmem:s0+$0x20] =	vst v2;
	(pc) =	sbr.rel @p0 .LBB2_2-.Ltmp0, $4  }
0x2d: {  	[tilespmem:s0+$0x10] =	vst v2  }
0x2e: {  	[tilespmem:s0+$0x0] =	vst v2  }
0x2f: {  	[tilespmem:s0+$0xFFFFFFF0] =	vst v2  }
0x30: {  	[tilespmem:s0+$0xFFFFFFE0] =	vst v2  }
0x31: {  	[tilespmem:s0+$0xFFFFFFD0] =	vst v2;
	s26 =	simm.s32 $0x0;
	s31 =	simm.s32 $0x8000  }
0x32: {  	[tilespmem:s31], [sflag:$0x1] =	stream.linear.gather [hbm4b:s10+s26], $0x2000, $0x38;
	[tilespmem:$0xD200] =	vst v63  }
.LBB2_4:
0x33: {  	s0 =	sshll.u32 s26, $0x12  }
0x34: {  	s2 =	sadd.s32 s11, s0  }
0x35: {  	p2 =	por $0x1, $0x1;
	p1 =	por $0x0, $0x0;
	s2 =	sshrl.u32 s2, $0x3  }
0x36: {  	v21 =	vmov s26;
	s28 =	sor.u32 s6, s0;
	s0 =	simm.s32 $0x0;
	s29 =	sadd.s32 s1, s2  }
.LBB2_5:
0x37: {  	s30 =	sshllo.u32 s0, $0x1  }
0x38: {  	s2 =	smul.u32 $0x4C0000, s30;
	_ =	sdelay $0x1  }
0x39: {  	s2 =	sadd.s32 s28, s2  }
0x3a: {  	s14 =	simm.s32 $0x0;
	s15 =	sshll.u32 s0, $0xE;
	s2 =	sshrl.u32 s2, $0x3  }
0x3b: {  	s16 =	sand.u32 $0x1000, s14;
	s18 =	sand.u32 $0xC00, s14;
	s2 =	sadd.s32 s1, s2  }
0x3c: {  	[tilespmem:s19], [sflag:$0x2] =	stream.linear.gather [hbm4b:s2+s14], $0x2000, $0x38;
	[tilespmem:$0xD200] =	vst v63  }
0x3d: {  	s31 =	sand.u32 $0x3FFFC000, s15;
	s15 =	sor.u32 s18, s16;
	_ =	swait.ge [sflag:s20], $0x2000  }
0x3e: {  	s0 =	sadd.s32 s16, s31;
	s14 =	sand.u32 $0x380, s14;
	[sflag:s20] =	ssyncset.done $0x0  }
0x3f: {  	s0 =	sadd.s32 s18, s0;
	s15 =	sor.u32 s14, s15;
	[sflag:s20] =	ssyncadd.s32 $0xFFFFE000  }
0x40: {  	s0 =	sadd.s32 s14, s0;
	v22 =	vld [tilespmem:s15+$0x8010]  }
0x41: {  	v23 =	vld [tilespmem:s0+$0x10]  }
0x42: {  	v24 =	vld [tilespmem:s0+$0x0]  }
0x43: {  	v25 =	vld [tilespmem:s0+$0x30]  }
0x44: {  	v26 =	vld [tilespmem:s15+$0x8040]  }
0x45: {  	v27 =	vld [tilespmem:s0+$0x50]  }
0x46: {  	v28 =	vld [tilespmem:s0+$0x40]  }
0x47: {  	v29 =	vld [tilespmem:s15+$0x8000]  }
0x48: {  	v31 =	vld [tilespmem:s15+$0x8050]  }
0x49: {  	s7 =	simm.s32 $0x400;
	s8 =	simm.s32 $0x80;
	v32 =	vld [tilespmem:s0+$0x60]  }
0x4a: {  	s2 =	sand.u32 $0xC00, s7;
	s14 =	sand.u32 $0x1000, s8  }
0x4b: {  	s16 =	simm.s32 $0x20;
	s18 =	sor.u32 s2, s14;
	s14 =	sadd.s32 s14, s31;
	v30 =	vmul.f32 $4.088000000e+03, v22;
	vm0 =	veq.s32 v25, v21;
	v25 =	vmul.f32 $4.088000000e+03, v26  }
0x4c: {  	s16 =	sand.u32 $0x380, s16;
	s2 =	sadd.s32 s2, s14;
	vm3 =	veq.s32 v24, v21;
	vm1 =	veq.s32 v27, v21;
	v29 =	vmul.f32 $4.088000000e+03, v29  }
0x4d: {  	v34 =	vld [tilespmem:s15+$0x8070];
	s14 =	sadd.s32 s16, s2;
	vm5 =	veq.s32 v23, v21;
	vm2 =	veq.s32 v28, v21;
	v28 =	vmul.f32 $4.088000000e+03, v31  }
0x4e: {  	v51 =	vld [tilespmem:s14+$0x0];
	vm4 =	veq.s32 v32, v21;
	v22 =	vsel vm0, $0x10001, v3;
	v38 =	vsel vm5, $0x10001, v3  }
0x4f: {  	v26 =	vld [tilespmem:s0+$0x70];
	v55 =	vsel vm2, $0x10001, v3;
	v24 =	vadd.f32 $8.388608000e+06, v30;
	v30 =	vsub.f32 $8.392696000e+06, v30  }
0x50: {  	v31 =	vld [tilespmem:s0+$0x20];
	v57 =	vsel vm4, $0x10001, v3;
	v27 =	vsub.f32 $8.392696000e+06, v25;
	v25 =	vadd.f32 $8.388608000e+06, v25  }
0x51: {  	v33 =	vld [tilespmem:s15+$0x8060];
	v35 =	vadd.f32 $8.388608000e+06, v28;
	v28 =	vsub.f32 $8.392696000e+06, v28;
	v23 =	vsel vm5, v30, v24  }
0x52: {  	v47 =	vld [tilespmem:s15+$0x8030];
	v25 =	vsel vm2, v27, v25;
	v27 =	vadd.f32 $8.388608000e+06, v29;
	v29 =	vsub.f32 $8.392696000e+06, v29  }
0x53: {  	v50 =	vld [tilespmem:s14+$0x10];
	v28 =	vsel vm1, v28, v35;
	vm2 =	veq.s32 v51, v21;
	v23 =	vand.u32 $0xFFF0, v23  }
0x54: {  	v41 =	vld [tilespmem:s14+$0x40];
	vm6 =	veq.s32 v26, v21;
	v26 =	vmul.f32 $4.088000000e+03, v34;
	v25 =	vand.u32 $0xFFF0, v25  }
0x55: {  	v52 =	vld [tilespmem:s14+$0x50];
	v28 =	vand.u32 $0xFFF0, v28;
	vm5 =	veq.s32 v31, v21;
	v30 =	vor.u32 v0, v23  }
0x56: {  	s0 =	sor.u32 s16, s18;
	v24 =	vld [tilespmem:s15+$0x8020];
	v23 =	vmul.f32 $4.088000000e+03, v33;
	v27 =	vsel vm3, v29, v27;
	vm3 =	vmmov vm3  }
0x57: {  	v54 =	vld [tilespmem:s0+$0x8040];
	v25 =	vor.u32 v0, v25;
	v28 =	vor.u32 v0, v28;
	v33 =	vmul.f32 $4.088000000e+03, v47  }
0x58: {  	v58 =	vld [tilespmem:s0+$0x8050];
	v56 =	vsel vm6, $0x10001, v3;
	v37 =	vadd.f32 $8.388608000e+06, v26;
	v26 =	vsub.f32 $8.392696000e+06, v26  }
0x59: {  	v62 =	vld [tilespmem:s0+$0x8060];
	v27 =	vand.u32 $0xFFF0, v27;
	v59 =	vsel vm3, $0x10001, v3;
	vm3 =	veq.s32 v41, v21  }
0x5a: {  	v31 =	vld [tilespmem:s14+$0x30];
	v48 =	vadd.f32 $8.388608000e+06, v23;
	v36 =	vsub.f32 $8.392696000e+06, v23;
	v27 =	vor.u32 v0, v27  }
0x5b: {  	v29 =	vld [tilespmem:s0+$0x8010];
	v53 =	vsub.f32 $8.392696000e+06, v33;
	v49 =	vmul.f32 $4.088000000e+03, v24;
	v26 =	vsel vm6, v26, v37  }
0x5c: {  	v23 =	vld [tilespmem:s14+$0x60];
	v33 =	vadd.f32 $8.388608000e+06, v33;
	v32 =	vsel vm4, v36, v48;
	v26 =	vand.u32 $0xFFF0, v26  }
0x5d: {  	vm4 =	veq.s32 v50, v21;
	v39 =	vadd.f32 $8.388608000e+06, v49;
	[tilespmem:v30+s21+$0x0] =	vst.idx.add.s32.msk $0xffff, v38;
	v30 =	vsub.f32 $8.392696000e+06, v49  }
0x5e: {  	v32 =	vand.u32 $0xFFF0, v32;
	v40 =	vor.u32 v0, v26;
	[tilespmem:v25+s21+$0x0] =	vst.idx.add.s32.msk $0xffff, v55;
	v25 =	vsel vm1, $0x10001, v3  }
0x5f: {  	v37 =	vmul.f32 $4.088000000e+03, v62;
	v32 =	vor.u32 v0, v32;
	[tilespmem:v28+s21+$0x0] =	vst.idx.add.s32.msk $0xffff, v25;
	v30 =	vsel vm5, v30, v39  }
0x60: {  	v26 =	vsel vm0, v53, v33;
	v29 =	vmul.f32 $4.088000000e+03, v29;
	v28 =	vand.u32 $0xFFF0, v30;
	v30 =	vld [tilespmem:s0+$0x8000]  }
0x61: {  	v24 =	vld [tilespmem:s14+$0x70];
	vm0 =	veq.s32 v31, v21;
	v31 =	vmul.f32 $4.088000000e+03, v54;
	vm1 =	veq.s32 v52, v21  }
0x62: {  	v33 =	vld [tilespmem:s0+$0x8070];
	v38 =	vmul.f32 $4.088000000e+03, v58;
	v26 =	vand.u32 $0xFFF0, v26;
	v25 =	vsel vm0, $0x10001, v3  }
0x63: {  	v26 =	vor.u32 v0, v26;
	v60 =	vadd.f32 $8.388608000e+06, v29;
	v63 =	vsub.f32 $8.392696000e+06, v29;
	[tilespmem:v27+s21+$0x0] =	vst.idx.add.s32.msk $0xffff, v59  }
0x64: {  	v61 =	vsub.f32 $8.392696000e+06, v31;
	v31 =	vadd.f32 $8.388608000e+06, v31;
	v28 =	vor.u32 v0, v28;
	[tilespmem:v32+s21+$0x0] =	vst.idx.add.s32.msk $0xffff, v57  }
0x65: {  	v29 =	vsel vm5, $0x10001, v3;
	v41 =	vsel vm4, v63, v60;
	v32 =	vld [tilespmem:s0+$0x8020];
	v42 =	vmul.f32 $4.088000000e+03, v30  }
0x66: {  	p0 =	por p2, p2;
	s2 =	simm.s32 $0x8;
	v34 =	vadd.f32 $8.388608000e+06, v38;
	[tilespmem:v40+s21+$0x0] =	vst.idx.add.s32.msk $0xffff, v56;
	v30 =	vsel vm3, v61, v31;
	v31 =	vand.u32 $0xFFF0, v41  }
0x67: {  	s16 =	simm.s32 $0x100;
	s15 =	simm.s32 $0x800;
	v27 =	vor.u32 v0, v31;
	v31 =	vld [tilespmem:s14+$0x20];
	s14 =	simm.s32 $0x40;
	v35 =	vadd.f32 $8.388608000e+06, v42;
	v36 =	vsub.f32 $8.392696000e+06, v42  }
.LBB2_6:
0x68: {  	s18 =	sand.u32 $0x1000, s16;
	s7 =	sand.u32 $0xC00, s15;
	s2 =	sadd.s32 $0x8, s2;
	v39 =	vld [tilespmem:s0+$0x8030];
	v38 =	vsub.f32 $8.392696000e+06, v38;
	vm7 =	veq.s32 v24, v21;
	v24 =	vmul.f32 $4.088000000e+03, v33  }
0x69: {  	s8 =	sand.u32 $0x380, s14;
	v33 =	vsel vm2, v36, v35;
	vm5 =	veq.s32 v23, v21;
	s0 =	sor.u32 s7, s18;
	s18 =	sadd.s32 s18, s31;
	v35 =	vadd.f32 $8.388608000e+06, v37;
	[tilespmem:v28+s21+$0x0] =	vst.idx.add.s32.msk $0xffff, v29  }
0x6a: {  	p2 =	slt.u32 s2, $0x1F8;
	v29 =	vsub.f32 $8.392696000e+06, v37;
	s0 =	sor.u32 s8, s0;
	s7 =	sadd.s32 s7, s18;
	v28 =	vmul.f32 $4.088000000e+03, v32;
	v32 =	vadd.f32 $8.388608000e+06, v24;
	[tilespmem:v26+s21+$0x0] =	vst.idx.add.s32.msk $0xffff, v22;
	v22 =	vmovc v25  }
0x6b: {  	v26 =	vsel vm4, $0x10001, v3;
	v34 =	vsel vm1, v38, v34;
	v36 =	vsub.f32 $8.392696000e+06, v24;
	s18 =	sadd.s32 s8, s7;
	v25 =	vld [tilespmem:s0+$0x8010]  }
0x6c: {  	v30 =	vand.u32 $0xFFF0, v30;
	vm4 =	vmmov vm2;
	v29 =	vsel vm5, v29, v35;
	v23 =	vld [tilespmem:s18+$0x60]  }
0x6d: {  	v33 =	vand.u32 $0xFFF0, v33;
	vm6 =	veq.s32 v31, v21;
	v31 =	vand.u32 $0xFFF0, v34;
	v24 =	vld [tilespmem:s18+$0x70]  }
0x6e: {  	v30 =	vor.u32 v0, v30;
	v29 =	vand.u32 $0xFFF0, v29;
	v31 =	vor.u32 v0, v31;
	v34 =	vld [tilespmem:s18+$0x10]  }
0x6f: {  	v37 =	vadd.f32 $8.388608000e+06, v28;
	v28 =	vsub.f32 $8.392696000e+06, v28;
	v32 =	vsel vm7, v36, v32;
	v35 =	vld [tilespmem:s18+$0x0]  }
0x70: {  	v40 =	vor.u32 v0, v33;
	v33 =	vmul.f32 $4.088000000e+03, v39;
	v38 =	vor.u32 v0, v29;
	v36 =	vld [tilespmem:s18+$0x30]  }
0x71: {  	[tilespmem:v27+s21+$0x0] =	vst.idx.add.s32.msk $0xffff, v26;
	v26 =	vsel vm6, v28, v37  }
0x72: {  	v29 =	vsel vm3, $0x10001, v3;
	v32 =	vand.u32 $0xFFF0, v32;
	v28 =	vsub.f32 $8.392696000e+06, v33;
	v27 =	vld [tilespmem:s18+$0x50]  }
0x73: {  	v39 =	vsel vm7, $0x10001, v3;
	v32 =	vor.u32 v0, v32;
	v33 =	vadd.f32 $8.388608000e+06, v33;
	v37 =	vld [tilespmem:s0+$0x8040]  }
0x74: {  	v41 =	vand.u32 $0xFFF0, v26;
	vm2 =	veq.s32 v35, v21;
	v35 =	vld [tilespmem:s18+$0x40]  }
0x75: {  	v26 =	vsel vm0, v28, v33;
	v28 =	vsel vm1, $0x10001, v3;
	[tilespmem:v30+s21+$0x0] =	vst.idx.add.s32.msk $0xffff, v29  }
0x76: {  	v26 =	vand.u32 $0xFFF0, v26;
	[tilespmem:v31+s21+$0x0] =	vst.idx.add.s32.msk $0xffff, v28  }
0x77: {  	v26 =	vor.u32 v0, v26;
	v30 =	vsel vm5, $0x10001, v3;
	v28 =	vmul.f32 $4.088000000e+03, v25;
	v29 =	vld [tilespmem:s0+$0x8000]  }
0x78: {  	vm0 =	veq.s32 v36, v21;
	v31 =	vmul.f32 $4.088000000e+03, v37;
	v36 =	vld [tilespmem:s0+$0x8050]  }
0x79: {  	v25 =	vsel vm0, $0x10001, v3;
	vm1 =	veq.s32 v27, v21;
	v27 =	vsel vm4, $0x10001, v3;
	[tilespmem:v32+s21+$0x0] =	vst.idx.add.s32.msk $0xffff, v39  }
0x7a: {  	v32 =	vadd.f32 $8.388608000e+06, v28;
	vm3 =	veq.s32 v35, v21;
	v35 =	vsub.f32 $8.392696000e+06, v31;
	v37 =	vld [tilespmem:s0+$0x8060]  }
.Ltmp1:
0x7b: {  	v39 =	vsub.f32 $8.392696000e+06, v28;
	v28 =	vor.u32 v0, v41;
	v31 =	vadd.f32 $8.388608000e+06, v31;
	v33 =	vld [tilespmem:s0+$0x8070];
	(pc) =	sbr.rel @p2 .LBB2_6-.Ltmp1, $4  }
0x7c: {  	vm4 =	veq.s32 v34, v21;
	v41 =	vmul.f32 $4.088000000e+03, v29;
	v29 =	vsel vm6, $0x10001, v3;
	[tilespmem:v38+s21+$0x0] =	vst.idx.add.s32.msk $0xffff, v30  }
0x7d: {  	v34 =	vsel vm4, v39, v32;
	v30 =	vsel vm3, v35, v31;
	v32 =	vld [tilespmem:s0+$0x8020];
	v38 =	vmul.f32 $4.088000000e+03, v36  }
0x7e: {  	v31 =	vand.u32 $0xFFF0, v34;
	v35 =	vadd.f32 $8.388608000e+06, v41;
	v36 =	vsub.f32 $8.392696000e+06, v41;
	[tilespmem:v40+s21+$0x0] =	vst.idx.add.s32.msk $0xffff, v27  }
0x7f: {  	s14 =	sadd.s32 $0x20, s14;
	s15 =	sadd.s32 $0x400, s15;
	s16 =	sadd.s32 $0x80, s16;
	v27 =	vor.u32 v0, v31;
	v31 =	vld [tilespmem:s18+$0x20];
	v34 =	vadd.f32 $8.388608000e+06, v38;
	v37 =	vmul.f32 $4.088000000e+03, v37  }
0x80: {  	v38 =	vsub.f32 $8.392696000e+06, v38  }
0x81: {  	vm5 =	veq.s32 v24, v21;
	v24 =	vmul.f32 $4.088000000e+03, v33;
	v60 =	vsel vm2, v36, v35  }
0x82: {  	v61 =	vld [tilespmem:s0+$0x8030];
	vm6 =	veq.s32 v23, v21;
	v39 =	vsel vm4, $0x10001, v3;
	v30 =	vand.u32 $0xFFF0, v30  }
0x83: {  	v23 =	vadd.f32 $8.388608000e+06, v37;
	v62 =	vsub.f32 $8.392696000e+06, v37;
	v33 =	vand.u32 $0xFFF0, v60  }
0x84: {  	v30 =	vor.u32 v0, v30;
	v32 =	vmul.f32 $4.088000000e+03, v32;
	v34 =	vsel vm1, v38, v34  }
0x85: {  	v63 =	vadd.f32 $8.388608000e+06, v24;
	v24 =	vsub.f32 $8.392696000e+06, v24;
	v34 =	vand.u32 $0xFFF0, v34  }
0x86: {  	v23 =	vsel vm6, v62, v23;
	vm4 =	veq.s32 v31, v21;
	v31 =	vor.u32 v0, v34  }
0x87: {  	v23 =	vand.u32 $0xFFF0, v23;
	v24 =	vsel vm5, v24, v63;
	v36 =	vmul.f32 $4.088000000e+03, v61  }
0x88: {  	[tilespmem:v28+s21+$0x0] =	vst.idx.add.s32.msk $0xffff, v29;
	v28 =	vadd.f32 $8.388608000e+06, v32;
	v29 =	vsub.f32 $8.392696000e+06, v32;
	v24 =	vand.u32 $0xFFF0, v24  }
0x89: {  	[tilespmem:v26+s21+$0x0] =	vst.idx.add.s32.msk $0xffff, v22;
	v24 =	vor.u32 v0, v24;
	v22 =	vsub.f32 $8.392696000e+06, v36;
	v26 =	vadd.f32 $8.388608000e+06, v36  }
0x8a: {  	[tilespmem:v27+s21+$0x0] =	vst.idx.add.s32.msk $0xffff, v39;
	v27 =	vsel vm3, $0x10001, v3;
	v23 =	vor.u32 v0, v23;
	v28 =	vsel vm4, v29, v28  }
0x8b: {  	v37 =	vor.u32 v0, v33;
	v28 =	vand.u32 $0xFFF0, v28;
	v22 =	vsel vm0, v22, v26  }
0x8c: {  	[tilespmem:v30+s21+$0x0] =	vst.idx.add.s32.msk $0xffff, v27;
	v27 =	vor.u32 v0, v28;
	v26 =	vsel vm1, $0x10001, v3;
	v22 =	vand.u32 $0xFFF0, v22  }
0x8d: {  	v28 =	vsel vm5, $0x10001, v3;
	[tilespmem:v31+s21+$0x0] =	vst.idx.add.s32.msk $0xffff, v26;
	v22 =	vor.u32 v0, v22  }
0x8e: {  	vm0 =	vmmov vm2;
	v26 =	vsel vm6, $0x10001, v3;
	[tilespmem:v24+s21+$0x0] =	vst.idx.add.s32.msk $0xffff, v28  }
0x8f: {  	v24 =	vsel vm0, $0x10001, v3;
	[tilespmem:v23+s21+$0x0] =	vst.idx.add.s32.msk $0xffff, v26  }
0x90: {  	v23 =	vsel vm4, $0x10001, v3;
	[tilespmem:v37+s21+$0x0] =	vst.idx.add.s32.msk $0xffff, v24  }
0x91: {  	s0 =	simm.s32 @!p1 $0x0;
	s2 =	simm.s32 @!p1 $0x8000;
	s14 =	simm.s32 $0x0;
	[tilespmem:v27+s21+$0x0] =	vst.idx.add.s32.msk $0xffff, v23  }
0x92: {  	s8 =	sshll.u32 s30, $0xD;
	s15 =	sand.u32 $0x1000, s14;
	s7 =	sand.u32 $0xC00, s14;
	[tilespmem:v22+s21+$0x0] =	vst.idx.add.s32.msk $0xffff, v25  }
0x93: {  	[tilespmem:s2], [sflag:$0x1] =	stream.linear.gather @!p1 [hbm4b:s29+s0], $0x2000, $0x38;
	[tilespmem:$0xD200] =	vst v63  }
0x94: {  	s30 =	sand.u32 $0x3FFFE000, s8;
	s8 =	sor.u32 s7, s15;
	_ =	swait.ge [sflag:s22], $0x2000  }
0x95: {  	s2 =	sand.u32 $0x380, s14;
	s0 =	sadd.s32 s15, s30;
	[sflag:s22] =	ssyncset.done $0x0  }
0x96: {  	s8 =	sor.u32 s2, s8;
	s0 =	sadd.s32 s7, s0;
	[sflag:s22] =	ssyncadd.s32 $0xFFFFE000  }
0x97: {  	s0 =	sadd.s32 s2, s0;
	v22 =	vld [tilespmem:s8+$0xA010]  }
0x98: {  	v23 =	vld [tilespmem:s0+$0x10]  }
0x99: {  	v24 =	vld [tilespmem:s0+$0x0]  }
0x9a: {  	v25 =	vld [tilespmem:s0+$0x30]  }
0x9b: {  	v26 =	vld [tilespmem:s8+$0xA040]  }
0x9c: {  	v27 =	vld [tilespmem:s0+$0x50]  }
0x9d: {  	v28 =	vld [tilespmem:s0+$0x40]  }
0x9e: {  	v29 =	vld [tilespmem:s8+$0xA000]  }
0x9f: {  	v31 =	vld [tilespmem:s8+$0xA050]  }
0xa0: {  	v38 =	vld [tilespmem:s0+$0x60]  }
0xa1: {  	v42 =	vld [tilespmem:s8+$0xA030];
	_ =	sdelay $0x1  }
0xa2: {  	v30 =	vmul.f32 $4.088000000e+03, v22;
	vm0 =	veq.s32 v25, v21;
	v25 =	vmul.f32 $4.088000000e+03, v26  }
0xa3: {  	vm3 =	veq.s32 v24, v21;
	vm1 =	veq.s32 v27, v21;
	v29 =	vmul.f32 $4.088000000e+03, v29  }
0xa4: {  	s16 =	simm.s32 $0x400;
	s18 =	simm.s32 $0x80;
	vm5 =	veq.s32 v23, v21;
	vm2 =	veq.s32 v28, v21;
	v28 =	vmul.f32 $4.088000000e+03, v31  }
0xa5: {  	s7 =	sand.u32 $0x1000, s18;
	s2 =	sand.u32 $0xC00, s16;
	v39 =	vld [tilespmem:s8+$0xA060];
	vm4 =	veq.s32 v38, v21;
	v33 =	vmul.f32 $4.088000000e+03, v42;
	v22 =	vsel vm0, $0x10001, v3  }
0xa6: {  	s14 =	simm.s32 $0x20;
	s31 =	sor.u32 s2, s7;
	s7 =	sadd.s32 s7, s30;
	v26 =	vld [tilespmem:s0+$0x70];
	v47 =	vsel vm5, $0x10001, v3;
	v24 =	vadd.f32 $8.388608000e+06, v30;
	v27 =	vsub.f32 $8.392696000e+06, v25  }
0xa7: {  	s14 =	sand.u32 $0x380, s14;
	v40 =	vld [tilespmem:s8+$0xA070];
	s2 =	sadd.s32 s2, s7;
	v54 =	vsel vm2, $0x10001, v3;
	v30 =	vsub.f32 $8.392696000e+06, v30;
	v25 =	vadd.f32 $8.388608000e+06, v25  }
0xa8: {  	v31 =	vld [tilespmem:s0+$0x20];
	s0 =	sor.u32 s14, s31;
	s14 =	sadd.s32 s14, s2;
	v56 =	vsel vm4, $0x10001, v3;
	v41 =	vadd.f32 $8.388608000e+06, v28;
	v28 =	vsub.f32 $8.392696000e+06, v28  }
0xa9: {  	v49 =	vld [tilespmem:s14+$0x0];
	v52 =	vsub.f32 $8.392696000e+06, v33;
	v33 =	vadd.f32 $8.388608000e+06, v33;
	v23 =	vsel vm5, v30, v24  }
0xaa: {  	v57 =	vld [tilespmem:s0+$0xA050];
	v25 =	vsel vm2, v27, v25;
	v27 =	vadd.f32 $8.388608000e+06, v29;
	v29 =	vsub.f32 $8.392696000e+06, v29  }
0xab: {  	v61 =	vld [tilespmem:s0+$0xA060];
	v28 =	vsel vm1, v28, v41;
	v23 =	vand.u32 $0xFFF0, v23;
	vm6 =	veq.s32 v26, v21  }
0xac: {  	v48 =	vld [tilespmem:s14+$0x10];
	v26 =	vmul.f32 $4.088000000e+03, v40;
	v25 =	vand.u32 $0xFFF0, v25;
	v28 =	vand.u32 $0xFFF0, v28  }
0xad: {  	v24 =	vld [tilespmem:s8+$0xA020];
	vm5 =	veq.s32 v31, v21;
	v30 =	vor.u32 v0, v23;
	v23 =	vmul.f32 $4.088000000e+03, v39  }
0xae: {  	v51 =	vld [tilespmem:s14+$0x50];
	v27 =	vsel vm3, v29, v27;
	vm3 =	vmmov vm3;
	v25 =	vor.u32 v0, v25  }
0xaf: {  	v53 =	vld [tilespmem:s0+$0xA040];
	v28 =	vor.u32 v0, v28;
	v55 =	vsel vm6, $0x10001, v3;
	vm2 =	veq.s32 v49, v21  }
0xb0: {  	v41 =	vld [tilespmem:s14+$0x40];
	v38 =	vmul.f32 $4.088000000e+03, v57;
	v36 =	vmul.f32 $4.088000000e+03, v61;
	v46 =	vadd.f32 $8.388608000e+06, v26  }
0xb1: {  	v31 =	vld [tilespmem:s14+$0x30];
	v26 =	vsub.f32 $8.392696000e+06, v26;
	v27 =	vand.u32 $0xFFF0, v27;
	v58 =	vsel vm3, $0x10001, v3  }
0xb2: {  	v29 =	vld [tilespmem:s0+$0xA010];
	v43 =	vadd.f32 $8.388608000e+06, v23;
	v45 =	vsub.f32 $8.392696000e+06, v23;
	v44 =	vmul.f32 $4.088000000e+03, v24  }
0xb3: {  	v23 =	vld [tilespmem:s14+$0x60];
	v27 =	vor.u32 v0, v27;
	v34 =	vadd.f32 $8.388608000e+06, v38;
	v26 =	vsel vm6, v26, v46  }
0xb4: {  	v32 =	vsel vm4, v45, v43;
	v50 =	vadd.f32 $8.388608000e+06, v44;
	[tilespmem:v30+s21+$0x0] =	vst.idx.add.s32.msk $0xffff, v47;
	v30 =	vsub.f32 $8.392696000e+06, v44  }
0xb5: {  	vm3 =	veq.s32 v41, v21;
	v32 =	vand.u32 $0xFFF0, v32;
	[tilespmem:v25+s21+$0x0] =	vst.idx.add.s32.msk $0xffff, v54;
	v25 =	vsel vm1, $0x10001, v3  }
0xb6: {  	v26 =	vand.u32 $0xFFF0, v26;
	v32 =	vor.u32 v0, v32;
	[tilespmem:v28+s21+$0x0] =	vst.idx.add.s32.msk $0xffff, v25;
	v30 =	vsel vm5, v30, v50  }
0xb7: {  	vm4 =	veq.s32 v48, v21;
	v40 =	vor.u32 v0, v26;
	v28 =	vand.u32 $0xFFF0, v30;
	v30 =	vld [tilespmem:s0+$0xA000]  }
0xb8: {  	v24 =	vld [tilespmem:s14+$0x70];
	v26 =	vsel vm0, v52, v33;
	v29 =	vmul.f32 $4.088000000e+03, v29;
	vm0 =	veq.s32 v31, v21  }
0xb9: {  	v31 =	vmul.f32 $4.088000000e+03, v53;
	vm1 =	veq.s32 v51, v21;
	v33 =	vld [tilespmem:s0+$0xA070];
	v26 =	vand.u32 $0xFFF0, v26  }
0xba: {  	v25 =	vsel vm0, $0x10001, v3;
	v59 =	vadd.f32 $8.388608000e+06, v29;
	v62 =	vsub.f32 $8.392696000e+06, v29;
	[tilespmem:v27+s21+$0x0] =	vst.idx.add.s32.msk $0xffff, v58  }
0xbb: {  	v60 =	vsub.f32 $8.392696000e+06, v31;
	v31 =	vadd.f32 $8.388608000e+06, v31;
	v28 =	vor.u32 v0, v28;
	[tilespmem:v32+s21+$0x0] =	vst.idx.add.s32.msk $0xffff, v56  }
0xbc: {  	v26 =	vor.u32 v0, v26;
	v63 =	vsel vm4, v62, v59;
	v32 =	vld [tilespmem:s0+$0xA020];
	v42 =	vmul.f32 $4.088000000e+03, v30  }
0xbd: {  	s15 =	simm.s32 $0x800;
	v29 =	vsel vm5, $0x10001, v3;
	[tilespmem:v40+s21+$0x0] =	vst.idx.add.s32.msk $0xffff, v55;
	v30 =	vsel vm3, v60, v31;
	v31 =	vand.u32 $0xFFF0, v63  }
0xbe: {  	s16 =	simm.s32 $0x100;
	s2 =	simm.s32 $0x8;
	v27 =	vor.u32 v0, v31;
	v31 =	vld [tilespmem:s14+$0x20];
	s14 =	simm.s32 $0x40;
	v35 =	vadd.f32 $8.388608000e+06, v42;
	v37 =	vsub.f32 $8.392696000e+06, v42  }
.LBB2_8:
0xbf: {  	s7 =	sand.u32 $0x1000, s16;
	s8 =	sand.u32 $0xC00, s15;
	s2 =	sadd.s32 $0x8, s2;
	v39 =	vld [tilespmem:s0+$0xA030];
	v38 =	vsub.f32 $8.392696000e+06, v38;
	vm7 =	veq.s32 v24, v21;
	v24 =	vmul.f32 $4.088000000e+03, v33  }
0xc0: {  	s18 =	sand.u32 $0x380, s14;
	v33 =	vsel vm2, v37, v35;
	vm5 =	veq.s32 v23, v21;
	s0 =	sor.u32 s8, s7;
	s7 =	sadd.s32 s7, s30;
	v35 =	vadd.f32 $8.388608000e+06, v36;
	[tilespmem:v28+s21+$0x0] =	vst.idx.add.s32.msk $0xffff, v29  }
0xc1: {  	p1 =	slt.u32 s2, $0x1F8;
	v29 =	vsub.f32 $8.392696000e+06, v36;
	s0 =	sor.u32 s18, s0;
	s7 =	sadd.s32 s8, s7;
	v28 =	vmul.f32 $4.088000000e+03, v32;
	v32 =	vadd.f32 $8.388608000e+06, v24;
	[tilespmem:v26+s21+$0x0] =	vst.idx.add.s32.msk $0xffff, v22;
	v22 =	vmovc v25  }
0xc2: {  	v26 =	vsel vm4, $0x10001, v3;
	v34 =	vsel vm1, v38, v34;
	v36 =	vsub.f32 $8.392696000e+06, v24;
	s18 =	sadd.s32 s18, s7;
	v25 =	vld [tilespmem:s0+$0xA010]  }
0xc3: {  	v30 =	vand.u32 $0xFFF0, v30;
	vm4 =	vmmov vm2;
	v29 =	vsel vm5, v29, v35;
	v23 =	vld [tilespmem:s18+$0x60]  }
0xc4: {  	v33 =	vand.u32 $0xFFF0, v33;
	vm6 =	veq.s32 v31, v21;
	v31 =	vand.u32 $0xFFF0, v34;
	v24 =	vld [tilespmem:s18+$0x70]  }
0xc5: {  	v30 =	vor.u32 v0, v30;
	v29 =	vand.u32 $0xFFF0, v29;
	v31 =	vor.u32 v0, v31;
	v34 =	vld [tilespmem:s18+$0x10]  }
0xc6: {  	v37 =	vadd.f32 $8.388608000e+06, v28;
	v28 =	vsub.f32 $8.392696000e+06, v28;
	v32 =	vsel vm7, v36, v32;
	v35 =	vld [tilespmem:s18+$0x0]  }
0xc7: {  	v40 =	vor.u32 v0, v33;
	v33 =	vmul.f32 $4.088000000e+03, v39;
	v38 =	vor.u32 v0, v29;
	v36 =	vld [tilespmem:s18+$0x30]  }
0xc8: {  	[tilespmem:v27+s21+$0x0] =	vst.idx.add.s32.msk $0xffff, v26;
	v26 =	vsel vm6, v28, v37  }
0xc9: {  	v29 =	vsel vm3, $0x10001, v3;
	v32 =	vand.u32 $0xFFF0, v32;
	v28 =	vsub.f32 $8.392696000e+06, v33;
	v27 =	vld [tilespmem:s18+$0x50]  }
0xca: {  	v39 =	vsel vm7, $0x10001, v3;
	v32 =	vor.u32 v0, v32;
	v33 =	vadd.f32 $8.388608000e+06, v33;
	v37 =	vld [tilespmem:s0+$0xA040]  }
0xcb: {  	v41 =	vand.u32 $0xFFF0, v26;
	vm2 =	veq.s32 v35, v21;
	v35 =	vld [tilespmem:s18+$0x40]  }
0xcc: {  	v26 =	vsel vm0, v28, v33;
	v28 =	vsel vm1, $0x10001, v3;
	[tilespmem:v30+s21+$0x0] =	vst.idx.add.s32.msk $0xffff, v29  }
0xcd: {  	v26 =	vand.u32 $0xFFF0, v26;
	[tilespmem:v31+s21+$0x0] =	vst.idx.add.s32.msk $0xffff, v28  }
0xce: {  	v26 =	vor.u32 v0, v26;
	v30 =	vsel vm5, $0x10001, v3;
	v28 =	vmul.f32 $4.088000000e+03, v25;
	v29 =	vld [tilespmem:s0+$0xA000]  }
0xcf: {  	vm0 =	veq.s32 v36, v21;
	v31 =	vmul.f32 $4.088000000e+03, v37;
	v36 =	vld [tilespmem:s0+$0xA050]  }
0xd0: {  	v25 =	vsel vm0, $0x10001, v3;
	vm1 =	veq.s32 v27, v21;
	v27 =	vsel vm4, $0x10001, v3;
	[tilespmem:v32+s21+$0x0] =	vst.idx.add.s32.msk $0xffff, v39  }
0xd1: {  	v32 =	vadd.f32 $8.388608000e+06, v28;
	vm3 =	veq.s32 v35, v21;
	v35 =	vsub.f32 $8.392696000e+06, v31;
	v39 =	vld [tilespmem:s0+$0xA060]  }
.Ltmp2:
0xd2: {  	v37 =	vsub.f32 $8.392696000e+06, v28;
	v28 =	vor.u32 v0, v41;
	v31 =	vadd.f32 $8.388608000e+06, v31;
	v33 =	vld [tilespmem:s0+$0xA070];
	(pc) =	sbr.rel @p1 .LBB2_8-.Ltmp2, $4  }
0xd3: {  	vm4 =	veq.s32 v34, v21;
	v41 =	vmul.f32 $4.088000000e+03, v29;
	v29 =	vsel vm6, $0x10001, v3;
	[tilespmem:v38+s21+$0x0] =	vst.idx.add.s32.msk $0xffff, v30  }
0xd4: {  	v34 =	vsel vm4, v37, v32;
	v30 =	vsel vm3, v35, v31;
	v32 =	vld [tilespmem:s0+$0xA020];
	v38 =	vmul.f32 $4.088000000e+03, v36  }
0xd5: {  	v31 =	vand.u32 $0xFFF0, v34;
	v35 =	vadd.f32 $8.388608000e+06, v41;
	v37 =	vsub.f32 $8.392696000e+06, v41;
	[tilespmem:v40+s21+$0x0] =	vst.idx.add.s32.msk $0xffff, v27  }
0xd6: {  	s14 =	sadd.s32 $0x20, s14;
	s15 =	sadd.s32 $0x400, s15;
	s16 =	sadd.s32 $0x80, s16;
	v27 =	vor.u32 v0, v31;
	v31 =	vld [tilespmem:s18+$0x20];
	v34 =	vadd.f32 $8.388608000e+06, v38;
	v36 =	vmul.f32 $4.088000000e+03, v39  }
0xd7: {  	v38 =	vsub.f32 $8.392696000e+06, v38;
	vm5 =	veq.s32 v24, v21  }
0xd8: {  	v46 =	vmul.f32 $4.088000000e+03, v33;
	v47 =	vsel vm2, v37, v35;
	vm6 =	veq.s32 v23, v21  }
0xd9: {  	v48 =	vld [tilespmem:s0+$0xA030];
	v51 =	vsel vm4, $0x10001, v3;
	v30 =	vand.u32 $0xFFF0, v30;
	v58 =	vsel vm3, $0x10001, v3  }
0xda: {  	vm15 =	vmmov vm2;
	v23 =	vadd.f32 $8.388608000e+06, v36;
	v49 =	vsub.f32 $8.392696000e+06, v36  }
0xdb: {  	v33 =	vand.u32 $0xFFF0, v47;
	v30 =	vor.u32 v0, v30;
	v32 =	vmul.f32 $4.088000000e+03, v32  }
0xdc: {  	v34 =	vsel vm1, v38, v34;
	v50 =	vadd.f32 $8.388608000e+06, v46;
	v24 =	vsub.f32 $8.392696000e+06, v46  }
0xdd: {  	v57 =	vor.u32 v0, v33;
	v23 =	vsel vm6, v49, v23;
	v34 =	vand.u32 $0xFFF0, v34  }
0xde: {  	vm14 =	veq.s32 v31, v21;
	v52 =	vor.u32 v0, v34;
	v53 =	vmul.f32 $4.088000000e+03, v48  }
0xdf: {  	v23 =	vand.u32 $0xFFF0, v23;
	v54 =	vadd.f32 $8.388608000e+06, v32;
	v55 =	vsub.f32 $8.392696000e+06, v32  }
0xe0: {  	[tilespmem:v26+s21+$0x0] =	vst.idx.add.s32.msk $0xffff, v22;
	v24 =	vsel vm5, v24, v50;
	v22 =	vsub.f32 $8.392696000e+06, v53;
	v56 =	vadd.f32 $8.388608000e+06, v53  }
0xe1: {  	[tilespmem:v28+s21+$0x0] =	vst.idx.add.s32.msk $0xffff, v29;
	v24 =	vand.u32 $0xFFF0, v24;
	v23 =	vor.u32 v0, v23;
	v28 =	vsel vm14, v55, v54  }
0xe2: {  	[tilespmem:v27+s21+$0x0] =	vst.idx.add.s32.msk $0xffff, v51;
	v24 =	vor.u32 v0, v24;
	v28 =	vand.u32 $0xFFF0, v28;
	v22 =	vsel vm0, v22, v56  }
0xe3: {  	v63 =	vsel vm15, $0x10001, v3;
	[tilespmem:v30+s21+$0x0] =	vst.idx.add.s32.msk $0xffff, v58;
	v60 =	vor.u32 v0, v28;
	v22 =	vand.u32 $0xFFF0, v22  }
0xe4: {  	v59 =	vsel vm1, $0x10001, v3;
	[tilespmem:v57+s21+$0x0] =	vst.idx.add.s32.msk $0xffff, v63;
	v22 =	vor.u32 v0, v22  }
.Ltmp3:
0xe5: {  	v62 =	vsel vm6, $0x10001, v3;
	[tilespmem:v52+s21+$0x0] =	vst.idx.add.s32.msk $0xffff, v59;
	(pc) =	sbr.rel @p0 .LBB2_5-.Ltmp3, $4  }
0xe6: {  	v61 =	vsel vm5, $0x10001, v3;
	[tilespmem:v23+s21+$0x0] =	vst.idx.add.s32.msk $0xffff, v62  }
0xe7: {  	v23 =	vsel vm14, $0x10001, v3;
	[tilespmem:v24+s21+$0x0] =	vst.idx.add.s32.msk $0xffff, v61  }
0xe8: {  	[tilespmem:v60+s21+$0x0] =	vst.idx.add.s32.msk $0xffff, v23  }
0xe9: {  	s0 =	simm.s32 $0x1;
	p2 =	por $0x0, $0x0;
	p1 =	por $0x1, $0x1;
	[tilespmem:v22+s21+$0x0] =	vst.idx.add.s32.msk $0xffff, v25  }
0xea: {  	s28 =	sadd.s32 $0x1, s26;
	p0 =	seq.s32 s26, $0x12  }
0xeb: {  	s0 =	sshll.u32 @!p0 s28, $0x12  }
0xec: {  	s0 =	sor.u32 @!p0 s6, s0  }
0xed: {  	s16 =	simm.s32 $0x100;
	s2 =	simm.s32 @!p0 $0x0;
	s0 =	sshrl.u32 @!p0 s0, $0x3  }
0xee: {  	s7 =	simm.s32 @!p0 $0x8000;
	p1 =	seq.s32 @!p0 s26, $0x0;
	s0 =	sadd.s32 @!p0 s1, s0  }
0xef: {  	v21 =	vor.u32 s16, v19;
	[tilespmem:s7], [sflag:$0x1] =	stream.linear.gather @!p0 [hbm4b:s0+s2], $0x2000, $0x38;
	[tilespmem:$0xD200] =	vst v63  }
0xf0: {  	v22 =	vor.u32 s16, v18;
	p0 =	por p0, !p1  }
0xf1: {  	v23 =	vor.u32 s16, v17;
	_ =	swait.ge @p0 [sflag:s24], $0x200  }
0xf2: {  	v24 =	vor.u32 s16, v16;
	[sflag:s24] =	ssyncset.done @p0 $0x0  }
0xf3: {  	v25 =	vor.u32 s16, v15;
	[sflag:s24] =	ssyncadd.s32 @p0 $0xFFFFFE00  }
0xf4: {  	v26 =	vor.u32 s16, v14;
	v28 =	vld.idx.msk [tilespmem:v21+s21+$0x0], $0xffff  }
0xf5: {  	v27 =	vor.u32 s16, v12;
	v22 =	vld.idx.msk [tilespmem:v22+s21+$0x0], $0xffff  }
0xf6: {  	v30 =	vor.u32 s16, v5;
	v29 =	vld.idx.msk [tilespmem:v23+s21+$0x0], $0xffff;
	v23 =	vor.u32 s16, v1  }
0xf7: {  	v31 =	vld.idx.msk [tilespmem:v24+s21+$0x0], $0xffff;
	v23 =	vand.u32 v20, v23  }
0xf8: {  	v25 =	vld.idx.msk [tilespmem:v25+s21+$0x0], $0xffff;
	v24 =	vor.u32 s16, v6  }
0xf9: {  	v32 =	vor.u32 s16, v7;
	v26 =	vld.idx.msk [tilespmem:v26+s21+$0x0], $0xffff  }
0xfa: {  	v33 =	vor.u32 s16, v8;
	v27 =	vld.idx.msk [tilespmem:v27+s21+$0x0], $0xffff  }
0xfb: {  	v34 =	vor.u32 s16, v9;
	v30 =	vld.idx.msk [tilespmem:v30+s21+$0x0], $0xffff  }
0xfc: {  	v35 =	vor.u32 s16, v10;
	v23 =	vld.idx.msk [tilespmem:v23+s21+$0x0], $0xffff  }
0xfd: {  	s30 =	simm.s32 $0x0;
	v36 =	vor.u32 s16, v11;
	v24 =	vld.idx.msk [tilespmem:v24+s21+$0x0], $0xffff  }
0xfe: {  	v38 =	vor.u32 s30, v5;
	v32 =	vld.idx.msk [tilespmem:v32+s21+$0x0], $0xffff  }
0xff: {  	v37 =	vor.u32 s30, v1;
	v21 =	vor.u32 s16, v13;
	v33 =	vld.idx.msk [tilespmem:v33+s21+$0x0], $0xffff  }
0x100: {  	v37 =	vand.u32 v4, v37;
	v34 =	vld.idx.msk [tilespmem:v34+s21+$0x0], $0xffff  }
0x101: {  	v39 =	vor.u32 s30, v6;
	v35 =	vld.idx.msk [tilespmem:v35+s21+$0x0], $0xffff;
	v23 =	vadd.s32 v23, v30  }
0x102: {  	v40 =	vor.u32 s30, v7;
	v36 =	vld.idx.msk [tilespmem:v36+s21+$0x0], $0xffff;
	v23 =	vadd.s32 v24, v23  }
0x103: {  	s29 =	simm.s32 $0xC100;
	v41 =	vor.u32 s30, v8;
	v38 =	vld.idx.msk [tilespmem:v38+s21+$0x0], $0xffff;
	v23 =	vadd.s32 v32, v23  }
0x104: {  	v42 =	vor.u32 s30, v9;
	v21 =	vld.idx.msk [tilespmem:v21+s21+$0x0], $0xffff;
	[tilespmem:s29+$0x0] =	vst v2;
	v23 =	vadd.s32 v33, v23  }
0x105: {  	v57 =	vor.u32 s30, v12;
	v37 =	vld.idx.msk [tilespmem:v37+s21+$0x0], $0xffff;
	[tilespmem:s29+$0x10] =	vst v2;
	v23 =	vadd.s32 v34, v23  }
0x106: {  	v39 =	vld.idx.msk [tilespmem:v39+s21+$0x0], $0xffff;
	[tilespmem:s29+$0x20] =	vst v2;
	v30 =	vor.u32 s30, v10;
	v23 =	vadd.s32 v35, v23  }
0x107: {  	v40 =	vld.idx.msk [tilespmem:v40+s21+$0x0], $0xffff;
	[tilespmem:s29+$0x30] =	vst v2;
	v24 =	vor.u32 s30, v11;
	v23 =	vadd.s32 v36, v23  }
0x108: {  	v61 =	vor.u32 s30, v16;
	v41 =	vld.idx.msk [tilespmem:v41+s21+$0x0], $0xffff;
	[tilespmem:s29+$0x40] =	vst v2;
	v23 =	vadd.s32 v27, v23  }
0x109: {  	v58 =	vor.u32 s30, v13;
	v42 =	vld.idx.msk [tilespmem:v42+s21+$0x0], $0xffff;
	[tilespmem:s29+$0x50] =	vst v2;
	v21 =	vadd.s32 v21, v23  }
0x10a: {  	v59 =	vor.u32 s30, v14;
	[tilespmem:s29+$0x60] =	vst v2;
	v32 =	vld.idx.msk [tilespmem:v57+s21+$0x0], $0xffff;
	v21 =	vadd.s32 v26, v21  }
0x10b: {  	v60 =	vor.u32 s30, v15;
	v37 =	vadd.s32 v37, v38;
	[tilespmem:s29+$0x70] =	vst v2;
	v30 =	vld.idx.msk [tilespmem:v30+s21+$0x0], $0xffff;
	v21 =	vadd.s32 v25, v21  }
0x10c: {  	v63 =	vor.u32 s30, v18;
	[tilespmem:s29+$0x80] =	vst v2;
	v62 =	vld.idx.msk [tilespmem:v24+s21+$0x0], $0xffff;
	v24 =	vadd.s32 v39, v37;
	v21 =	vadd.s32 v31, v21  }
0x10d: {  	v43 =	vor.u32 s30, v17;
	[tilespmem:s29+$0x90] =	vst v2;
	v24 =	vadd.s32 v40, v24;
	v27 =	vld.idx.msk [tilespmem:v61+s21+$0x0], $0xffff;
	v21 =	vadd.s32 v29, v21  }
0x10e: {  	[tilespmem:s29+$0xA0] =	vst v2;
	v23 =	vld.idx.msk [tilespmem:v58+s21+$0x0], $0xffff;
	v26 =	vadd.s32 v41, v24;
	v22 =	vadd.s32 v22, v21;
	v21 =	vor.u32 s30, v19  }
0x10f: {  	[tilespmem:s29+$0xB0] =	vst v2;
	v24 =	vld.idx.msk [tilespmem:v59+s21+$0x0], $0xffff;
	v25 =	vadd.s32 v42, v26  }
0x110: {  	s18 =	sand.u32 $0x100, s30;
	[tilespmem:s29+$0xC0] =	vst v2;
	v26 =	vld.idx.msk [tilespmem:v60+s21+$0x0], $0xffff;
	v25 =	vadd.s32 v30, v25  }
0x111: {  	s31 =	simm.s32 $0x10;
	s15 =	sor.u32 $0xD000, s18;
	[tilespmem:s29+$0xD0] =	vst v2;
	v30 =	vld.idx.msk [tilespmem:v63+s21+$0x0], $0xffff;
	v25 =	vadd.s32 v62, v25  }
0x112: {  	s0 =	simm.s32 $0x0;
	s2 =	simm.s32 $0x200;
	s16 =	sand.u32 $0x70, s31;
	[tilespmem:s29+$0xE0] =	vst v2;
	v29 =	vld.idx.msk [tilespmem:v43+s21+$0x0], $0xffff;
	v32 =	vadd.s32 v32, v25;
	v31 =	vadd.s32 v28, v22  }
.LBB2_11:
0x113: {  	v22 =	vor.u32 s2, v1;
	v25 =	vor.u32 s2, v5;
	s14 =	sadd.s32 $0x100, s2;
	v33 =	vld.idx.msk [tilespmem:v21+s21+$0x0], $0xffff;
	s7 =	sadd.s32 $0xFFFFFFF0, s31;
	[tilespmem:s29+$0xF0] =	vst v2;
	s16 =	sor.u32 s16, s15;
	v21 =	vshrl.u32 v31, $0x10  }
0x114: {  	v35 =	vor.u32 s2, v6;
	v34 =	vand.u32 v4, v22;
	v22 =	vor.u32 s14, v19;
	s7 =	sand.u32 $0x60, s7;
	[tilespmem:s16+$0x80] =	vst v21  }
0x115: {  	v36 =	vor.u32 s2, v7;
	v37 =	vor.u32 s2, v8;
	v21 =	vor.u32 s14, v18;
	[tilespmem:s29+$0xFFFFFF00] =	vst v2;
	s15 =	sor.u32 s7, s15  }
0x116: {  	v38 =	vor.u32 s2, v9;
	v39 =	vor.u32 s2, v10;
	v40 =	vor.u32 s14, v17;
	[tilespmem:s29+$0xFFFFFF10] =	vst v2  }
0x117: {  	v41 =	vor.u32 s2, v11;
	v42 =	vor.u32 s2, v12;
	v43 =	vor.u32 s14, v16;
	[tilespmem:s29+$0xFFFFFF20] =	vst v2  }
0x118: {  	v45 =	vor.u32 s2, v13;
	v46 =	vor.u32 s2, v14;
	v47 =	vor.u32 s14, v15;
	v44 =	vld.idx.msk [tilespmem:v25+s21+$0x0], $0xffff;
	[tilespmem:s29+$0xFFFFFF30] =	vst v2  }
0x119: {  	v48 =	vor.u32 s2, v15;
	v49 =	vor.u32 s2, v16;
	v50 =	vor.u32 s14, v14;
	v22 =	vld.idx.msk [tilespmem:v22+s21+$0x0], $0xffff;
	[tilespmem:s29+$0xFFFFFF40] =	vst v2  }
0x11a: {  	v28 =	vor.u32 s2, v17;
	v51 =	vor.u32 s14, v13;
	v25 =	vor.u32 s2, v18;
	v52 =	vld.idx.msk [tilespmem:v21+s21+$0x0], $0xffff;
	[tilespmem:s29+$0xFFFFFF50] =	vst v2  }
0x11b: {  	s0 =	sadd.s32 $0x2, s0;
	v23 =	vadd.s32 v23, v32;
	v53 =	vor.u32 s14, v12;
	v21 =	vor.u32 s2, v19;
	v40 =	vld.idx.msk [tilespmem:v40+s21+$0x0], $0xffff;
	[tilespmem:s29+$0xFFFFFF60] =	vst v2  }
0x11c: {  	v32 =	vor.u32 s14, v1;
	v54 =	vor.u32 s14, v5;
	p0 =	slt.u32 s0, $0xE;
	v23 =	vadd.s32 v24, v23;
	v43 =	vld.idx.msk [tilespmem:v43+s21+$0x0], $0xffff;
	[tilespmem:s29+$0xFFFFFF70] =	vst v2  }
0x11d: {  	v24 =	vand.u32 v20, v32;
	v23 =	vadd.s32 v26, v23;
	v26 =	vand.u32 $0xFFFF, v31;
	v32 =	vld.idx.msk [tilespmem:v47+s21+$0x0], $0xffff;
	[tilespmem:s29+$0xFFFFFF80] =	vst v2  }
0x11e: {  	v31 =	vor.u32 s14, v6;
	v23 =	vadd.s32 v27, v23;
	v47 =	vld.idx.msk [tilespmem:v50+s21+$0x0], $0xffff;
	[tilespmem:s16+$0x0] =	vst v26  }
0x11f: {  	v23 =	vadd.s32 v29, v23;
	v26 =	vor.u32 s14, v7;
	v27 =	vld.idx.msk [tilespmem:v51+s21+$0x0], $0xffff;
	[tilespmem:s29+$0xFFFFFF90] =	vst v2  }
0x120: {  	v29 =	vor.u32 s14, v8;
	v23 =	vadd.s32 v30, v23;
	v50 =	vld.idx.msk [tilespmem:v53+s21+$0x0], $0xffff;
	[tilespmem:s29+$0xFFFFFFA0] =	vst v2  }
0x121: {  	v23 =	vadd.s32 v33, v23;
	v51 =	vor.u32 s14, v9;
	v30 =	vld.idx.msk [tilespmem:v54+s21+$0x0], $0xffff;
	[tilespmem:s29+$0xFFFFFFB0] =	vst v2  }
0x122: {  	v33 =	vor.u32 s14, v10;
	v53 =	vand.u32 $0xFFFF, v23;
	v23 =	vshrl.u32 v23, $0x10;
	v24 =	vld.idx.msk [tilespmem:v24+s21+$0x0], $0xffff;
	[tilespmem:s29+$0xFFFFFFC0] =	vst v2  }
0x123: {  	v54 =	vor.u32 s14, v11;
	v31 =	vld.idx.msk [tilespmem:v31+s21+$0x0], $0xffff;
	[tilespmem:s29+$0xFFFFFFD0] =	vst v2  }
0x124: {  	v26 =	vld.idx.msk [tilespmem:v26+s21+$0x0], $0xffff;
	[tilespmem:s29+$0xFFFFFFE0] =	vst v2  }
0x125: {  	v29 =	vld.idx.msk [tilespmem:v29+s21+$0x0], $0xffff;
	[tilespmem:s29+$0xFFFFFFF0] =	vst v2  }
0x126: {  	v51 =	vld.idx.msk [tilespmem:v51+s21+$0x0], $0xffff;
	[tilespmem:s15+$0x0] =	vst v53  }
0x127: {  	s29 =	sadd.s32 $0x200, s29;
	v33 =	vld.idx.msk [tilespmem:v33+s21+$0x0], $0xffff;
	[tilespmem:s15+$0x80] =	vst v23  }
0x128: {  	v23 =	vadd.s32 v24, v30;
	v24 =	vld.idx.msk [tilespmem:v54+s21+$0x0], $0xffff;
	[tilespmem:s29+$0x0] =	vst v2  }
0x129: {  	v23 =	vadd.s32 v31, v23;
	v30 =	vld.idx.msk [tilespmem:v34+s21+$0x0], $0xffff;
	[tilespmem:s29+$0x10] =	vst v2  }
0x12a: {  	v23 =	vadd.s32 v26, v23;
	v31 =	vld.idx.msk [tilespmem:v35+s21+$0x0], $0xffff;
	[tilespmem:s29+$0x20] =	vst v2  }
0x12b: {  	v23 =	vadd.s32 v29, v23;
	v26 =	vld.idx.msk [tilespmem:v36+s21+$0x0], $0xffff;
	[tilespmem:s29+$0x30] =	vst v2  }
0x12c: {  	v23 =	vadd.s32 v51, v23;
	v29 =	vld.idx.msk [tilespmem:v37+s21+$0x0], $0xffff;
	[tilespmem:s29+$0x40] =	vst v2  }
0x12d: {  	v23 =	vadd.s32 v33, v23;
	v34 =	vld.idx.msk [tilespmem:v38+s21+$0x0], $0xffff;
	[tilespmem:s29+$0x50] =	vst v2  }
0x12e: {  	v23 =	vadd.s32 v24, v23;
	v33 =	vld.idx.msk [tilespmem:v39+s21+$0x0], $0xffff;
	[tilespmem:s29+$0x60] =	vst v2  }
0x12f: {  	v24 =	vadd.s32 v30, v44;
	v23 =	vadd.s32 v50, v23;
	v30 =	vld.idx.msk [tilespmem:v41+s21+$0x0], $0xffff;
	[tilespmem:s29+$0x70] =	vst v2  }
0x130: {  	v24 =	vadd.s32 v31, v24;
	v27 =	vadd.s32 v27, v23;
	v31 =	vld.idx.msk [tilespmem:v42+s21+$0x0], $0xffff;
	[tilespmem:s29+$0x80] =	vst v2  }
0x131: {  	v24 =	vadd.s32 v26, v24;
	v26 =	vadd.s32 v47, v27;
	v23 =	vld.idx.msk [tilespmem:v45+s21+$0x0], $0xffff;
	[tilespmem:s29+$0x90] =	vst v2  }
.Ltmp4:
0x132: {  	v27 =	vadd.s32 v29, v24;
	v29 =	vadd.s32 v32, v26;
	v24 =	vld.idx.msk [tilespmem:v46+s21+$0x0], $0xffff;
	[tilespmem:s29+$0xA0] =	vst v2;
	(pc) =	sbr.rel @p0 .LBB2_11-.Ltmp4, $4  }
0x133: {  	v27 =	vadd.s32 v34, v27;
	v29 =	vadd.s32 v43, v29;
	v26 =	vld.idx.msk [tilespmem:v48+s21+$0x0], $0xffff;
	[tilespmem:s29+$0xB0] =	vst v2  }
0x134: {  	s30 =	sadd.s32 $0x40, s30;
	v32 =	vadd.s32 v33, v27;
	v33 =	vadd.s32 v40, v29;
	v27 =	vld.idx.msk [tilespmem:v49+s21+$0x0], $0xffff;
	[tilespmem:s29+$0xC0] =	vst v2  }
0x135: {  	s31 =	sadd.s32 $0x20, s31;
	s7 =	sand.u32 $0x100, s30;
	v30 =	vadd.s32 v30, v32;
	v29 =	vld.idx.msk [tilespmem:v28+s21+$0x0], $0xffff;
	v28 =	vadd.s32 v52, v33;
	[tilespmem:s29+$0xD0] =	vst v2  }
0x136: {  	s2 =	sadd.s32 $0x200, s2;
	s16 =	sand.u32 $0x70, s31;
	s15 =	sor.u32 $0xD000, s7;
	v32 =	vadd.s32 v31, v30;
	v30 =	vld.idx.msk [tilespmem:v25+s21+$0x0], $0xffff;
	v31 =	vadd.s32 v22, v28;
	[tilespmem:s29+$0xE0] =	vst v2  }
0x137: {  	_ =	sdelay $0x2  }
0x138: {  	[tilespmem:s29+$0xF0] =	vst v2  }
0x139: {  	v21 =	vld.idx.msk [tilespmem:v21+s21+$0x0], $0xffff;
	[tilespmem:s29+$0xFFFFFF00] =	vst v2  }
0x13a: {  	[tilespmem:s29+$0xFFFFFF10] =	vst v2  }
0x13b: {  	[tilespmem:s29+$0xFFFFFF20] =	vst v2  }
0x13c: {  	[tilespmem:s29+$0xFFFFFF30] =	vst v2  }
0x13d: {  	[tilespmem:s29+$0xFFFFFF40] =	vst v2  }
0x13e: {  	[tilespmem:s29+$0xFFFFFF50] =	vst v2  }
0x13f: {  	[tilespmem:s29+$0xFFFFFF60] =	vst v2  }
0x140: {  	[tilespmem:s29+$0xFFFFFF70] =	vst v2  }
0x141: {  	[tilespmem:s29+$0xFFFFFF80] =	vst v2  }
0x142: {  	s0 =	sor.u32 s16, s15;
	v22 =	vshrl.u32 v31, $0x10;
	[tilespmem:s29+$0xFFFFFF90] =	vst v2  }
0x143: {  	v23 =	vadd.s32 v23, v32;
	[tilespmem:s0+$0x80] =	vst v22;
	v22 =	vand.u32 $0xFFFF, v31  }
0x144: {  	[tilespmem:s0+$0x0] =	vst v22;
	v22 =	vadd.s32 v24, v23  }
0x145: {  	[tilespmem:s29+$0xFFFFFFA0] =	vst v2;
	v22 =	vadd.s32 v26, v22  }
0x146: {  	[tilespmem:s29+$0xFFFFFFB0] =	vst v2;
	v22 =	vadd.s32 v27, v22  }
0x147: {  	[tilespmem:s29+$0xFFFFFFC0] =	vst v2;
	v22 =	vadd.s32 v29, v22  }
0x148: {  	s30 =	sadd.s32 $0xFFFFFFF0, s31;
	[tilespmem:s29+$0xFFFFFFD0] =	vst v2;
	p0 =	sne.s32 s28, $0x13;
	v22 =	vadd.s32 v30, v22  }
.Ltmp5:
0x149: {  	[tilespmem:s29+$0xFFFFFFE0] =	vst v2;
	s2 =	sshll.u32 s26, $0x9;
	s0 =	sand.u32 $0x60, s30;
	v21 =	vadd.s32 v21, v22;
	(pc) =	sbr.rel @p0 .LBB2_4-.Ltmp5, $4  }
0x14a: {  	[tilespmem:s29+$0xFFFFFFF0] =	vst v2;
	s2 =	sadd.s32 s12, s2;
	s0 =	sor.u32 s0, s15;
	v22 =	vand.u32 $0xFFFF, v21  }
0x14b: {  	s2 =	sshrl.u32 s2, $0x3;
	v21 =	vshrl.u32 v21, $0x10;
	[tilespmem:s0+$0x0] =	vst v22  }
0x14c: {  	s26 =	smov.u32 s28;
	s31 =	sadd.s32 s4, s2;
	[tilespmem:s0+$0x80] =	vst v21  }
0x14d: {  	[hbm4b:s31+s3] =	stream.linear.scatter [tilespmem:s23], [sflag:$0x4], $0x200, $0x38;
	[tilespmem:$0xD200] =	vst v63  }
0x14e: {  	s25 =	sadd.s32 $0x1, s25  }
0x14f: {  	p0 =	sne.s32 s25, s13  }
.Ltmp6:
0x150: {  	_ = 	snop;
	(pc) =	sbr.rel @p0 .LBB2_1-.Ltmp6, $4  }
0x151: {  	_ = 	snop  }
0x152: {  	_ =	swait.ge [sflag:s24], $0x200  }
0x153: {  	[sflag:s24] =	ssyncset.done $0x0  }
0x154: {  	[sflag:s24] =	ssyncadd.s32 $0xFFFFFE00  }
0x155: {  	_ =	sfence.sel $0x180000  }
0x156: {  	[bflag:$0x0] =	sbarrier.arrive $0xFFFF  }
0x157: {  	_ =	strace $0x90000047  }
0x158: {  	s0 =	stileid.u32;
	[bflag:$0x2] =	sbarrier.arrive $0xFFFF  }
0x159: {  	p0 =	sne.s32 s0, $0x0;
	s0 =	rddreg [dreg:$0x3]  }
0x15a: {  	s0 =	sadd.s32 @!p0 $0x100000, s0  }
0x15b: {  	[sflag:s0] =	ssyncadd.tile.s32 @!p0 $0x1;
	_ =	shalt  }
.Lfunc_end2:
_tile_overlayer_lowered:
.L_overlay_start_2:
0x15c: {  	(tag) =	ssettag $0x2  }
0x15d: {  	s0 =	rddreg [dreg:$0x0];
	s2 =	stileid.u32  }
0x15e: {  	s1 =	rddreg [dreg:$0x1];
	p0 =	sne.s32 s2, $0x0  }
0x15f: {  	s3 =	rddreg [dreg:$0x2];
	[bflag:$0x3] =	sbarrier.arrive $0xFFFF;
	s2 =	simm.s32 @!p0 $0x1C05  }
0x160: {  	[timem:s3], [sflag:s2] =	dma.local @!p0 [hbm:s0], s1  }
0x161: {  	s0 =	simm.s32 @!p0 $0x5  }
0x162: {  	_ =	swait.ge @!p0 [sflag:s0], s1  }
0x163: {  	s1 =	ssub.s32 @!p0 $0x0, s1;
	[sflag:s0] =	ssyncset.done @!p0 $0x0  }
0x164: {  	[sflag:s0] =	ssyncadd.s32 @!p0 s1  }
0x165: {  	[bflag:$0x3] =	sbarrier.arrive $0xFFFF  }
0x166: {  	_ =	shalt  }

</sc_bundles>
